<compile_context>
chip_gen: v7x
topology: tpu7x:2x2x1
jax: 0.10.2.dev20260603
libtpu: 0.0.44.dev20260713+nightly
codegen_flags: <defaults>
</compile_context>

<pallas_src>
import jax
import jax.numpy as jnp
from jax import lax
from jax.experimental import pallas as pl
from jax.experimental.pallas import tpu as pltpu
from jax.experimental.pallas import tpu_sc as plsc

BATCH = 16384
DIM = 128
NSITES = 16
LANES = 16
NC, NS = 2, 16
NW = NC * NS
BPW = BATCH // NW
CH = 128
NCHUNK = BPW // CH
NBUF = 2


def _body(in_hbm, sites_hbm, masks_hbm, idx_hbm, out_hbm,
          idx_v, sites_v, masks_v, in_buf, out_buf, sem_in, sem_out):
    wid = lax.axis_index("s") * NC + lax.axis_index("c")
    base = wid * BPW

    pltpu.sync_copy(idx_hbm.at[pl.ds(base, BPW)], idx_v)
    pltpu.sync_copy(sites_hbm, sites_v)
    pltpu.sync_copy(masks_hbm, masks_v)

    in_copies = [None] * NCHUNK
    out_copies = [None] * NCHUNK
    in_copies[0] = pltpu.async_copy(
        in_hbm.at[pl.ds(base, CH)], in_buf.at[0], sem_in.at[0])

    for g in range(NCHUNK):
        slot = g % NBUF
        if g + 1 < NCHUNK:
            nslot = (g + 1) % NBUF
            in_copies[g + 1] = pltpu.async_copy(
                in_hbm.at[pl.ds(base + (g + 1) * CH, CH)],
                in_buf.at[nslot], sem_in.at[nslot])
        in_copies[g].wait()
        if g >= NBUF:
            out_copies[g - NBUF].wait()

        zeros16 = jnp.zeros((LANES,), dtype=jnp.int32)

        @plsc.parallel_loop(0, CH, unroll=4)
        def _rows(r, slot=slot, off=g * CH):
            jvec = plsc.load_gather(idx_v, [zeros16 + (off + r)])
            mi = plsc.load_gather(masks_v, [jvec])
            si = plsc.load_gather(sites_v, [jvec])
            for q in range(DIM // LANES):
                v = in_buf[slot, r, pl.ds(q * LANES, LANES)]
                out_buf[slot, r, pl.ds(q * LANES, LANES)] = v * mi + si

        out_copies[g] = pltpu.async_copy(
            out_buf.at[slot], out_hbm.at[pl.ds(base + g * CH, CH)],
            sem_out.at[slot])

    for g in range(max(0, NCHUNK - NBUF), NCHUNK):
        out_copies[g].wait()


def kernel(inputs, injection_sites, masks, random_indexes):
    mesh = plsc.VectorSubcoreMesh(core_axis_name="c", subcore_axis_name="s")
    k = pl.kernel(
        _body,
        out_type=jax.ShapeDtypeStruct((BATCH, DIM), jnp.float32),
        mesh=mesh,
        compiler_params=pltpu.CompilerParams(needs_layout_passes=False),
        scratch_types=[
            pltpu.VMEM((BPW,), jnp.int32),
            pltpu.VMEM((NSITES,), jnp.float32),
            pltpu.VMEM((NSITES,), jnp.float32),
            pltpu.VMEM((NBUF, CH, DIM), jnp.float32),
            pltpu.VMEM((NBUF, CH, DIM), jnp.float32),
            pltpu.SemaphoreType.DMA((NBUF,)),
            pltpu.SemaphoreType.DMA((NBUF,)),
        ],
    )
    return k(inputs,
             injection_sites.reshape(NSITES).astype(jnp.float32),
             masks.reshape(NSITES).astype(jnp.float32),
             random_indexes.astype(jnp.int32))

# --- scband reference (transcript-rebuilt; emitter-appended) ---
"""Pipeline reference for scband-error-simulator-30520037605554 (READ-ONLY COPY).

The authoritative reference and input builder live on the scoring server;
editing this copy changes nothing except your own understanding.
"""

import jax, jax.numpy as jnp
import numpy as np

BATCH = 16384
DIM = 128
NUM_INJ_SITES = 16

def setup_inputs(seed: int = 0) -> dict:
    key = jax.random.key(seed)
    k1, k2, k3, k4 = jax.random.split(key, 4)
    inputs = jax.random.normal(k1, (BATCH, DIM), dtype=jnp.float32)
    # Learned/stored parameters of the layer, sized per init_kwargs:
    # available_injection_sites stacked into a [num_inj_sites, 1] table (broadcastable over DIM)
    injection_sites = jax.random.normal(k2, (NUM_INJ_SITES, 1), dtype=jnp.float32)
    # masks stacked into [num_inj_sites, 1], binary 0/1 like the init_kwargs literal
    masks = (jax.random.uniform(k3, (NUM_INJ_SITES, 1)) > 0.5).astype(jnp.float32)
    # The TF layer draws tf.random.uniform indexes internally (seed=22); here we
    # materialize the per-batch random site indexes deterministically in setup.
    random_indexes = jax.random.randint(k4, (BATCH,), 0, NUM_INJ_SITES, dtype=jnp.int32)
    return {
        "inputs": inputs,
        "injection_sites": injection_sites,
        "masks": masks,
        "random_indexes": random_indexes,
    }


def reference(inputs, injection_sites, masks, random_indexes):
    # fault_injection_batch_v2 (mode == enabled):
    # random_tensor = tf.gather(available_injection_sites, random_indexes)
    # random_mask   = tf.gather(masks, random_indexes)
    # out = inputs * random_mask + random_tensor
    site_g = jnp.take(injection_sites, random_indexes, axis=0)  # [B, 1]
    mask_g = jnp.take(masks, random_indexes, axis=0)            # [B, 1]
    out = inputs * mask_g + site_g                              # broadcast over DIM
    return out

if __name__ == "__main__":
    import jax
    _d = setup_inputs()
    print(jax.jit(kernel)(*tuple(_d.values())))

</pallas_src>

<mosaic_0001>
#map = affine_map<(d0, d1) -> (0, 0)>
#map1 = affine_map<(d0, d1) -> (0)>
module attributes {stable_mosaic.version = 14 : i64} {
  func.func @_body(%arg0: i32, %arg1: i32, %arg2: memref<16384x128xf32, #tpu.memory_space<hbm>>, %arg3: memref<16xf32, #tpu.memory_space<hbm>>, %arg4: memref<16xf32, #tpu.memory_space<hbm>>, %arg5: memref<16384xi32, #tpu.memory_space<hbm>>, %arg6: memref<16384x128xf32, #tpu.memory_space<hbm>>, %arg7: memref<512xi32, #tpu.memory_space<vmem>>, %arg8: memref<16xf32, #tpu.memory_space<vmem>>, %arg9: memref<16xf32, #tpu.memory_space<vmem>>, %arg10: memref<2x128x128xf32, #tpu.memory_space<vmem>>, %arg11: memref<2x128x128xf32, #tpu.memory_space<vmem>>, %arg12: memref<2x!tpu.dma_semaphore, #tpu.memory_space<semaphore_mem>>, %arg13: memref<2x!tpu.dma_semaphore, #tpu.memory_space<semaphore_mem>>) attributes {dimension_semantics = [#tpu.dimension_semantics<core_parallel>, #tpu.dimension_semantics<subcore_parallel>], iteration_bounds = array<i64: 2, 16>, scalar_prefetch = 0 : i64, scratch_operands = 7 : i64, tpu.core_type = #tpu.core_type<sc_vector_subcore>, window_params = [{transform_indices = #map}, {transform_indices = #map1}, {transform_indices = #map1}, {transform_indices = #map1}, {transform_indices = #map}]} {
    %mul3A = arith.constant 2 : i32
    %mul3A_0 = arith.muli %arg1, %mul3A : i32
    %add3A = arith.addi %mul3A_0, %arg0 : i32
    %mul3A_1 = arith.constant 512 : i32
    %mul3A_2 = arith.muli %add3A, %mul3A_1 : i32
    "tpu.region"() ({
      %run_scoped3A = tpu.sem_alloc : memref<!tpu.dma_semaphore, #tpu.memory_space<semaphore_mem>>
      %dma_start3A_289 = tpu.memref_slice %arg5[%mul3A_2] : memref<16384xi32, #tpu.memory_space<hbm>> -> memref<512xi32, #tpu.memory_space<hbm>>
      %dma_start3A_290 = tpu.memref_slice %arg5[%mul3A_2] : memref<16384xi32, #tpu.memory_space<hbm>> -> memref<512xi32, #tpu.memory_space<hbm>>
      tpu.enqueue_dma source(%dma_start3A_290 : memref<512xi32, #tpu.memory_space<hbm>>) target(%arg7 : memref<512xi32, #tpu.memory_space<vmem>>) target_semaphore(%run_scoped3A : memref<!tpu.dma_semaphore, #tpu.memory_space<semaphore_mem>>)
      %dma_wait3A_291 = tpu.memref_slice %arg5[%mul3A_2] : memref<16384xi32, #tpu.memory_space<hbm>> -> memref<512xi32, #tpu.memory_space<hbm>>
      %dma_wait3A_292 = tpu.memref_slice %arg5[%mul3A_2] : memref<16384xi32, #tpu.memory_space<hbm>> -> memref<512xi32, #tpu.memory_space<hbm>>
      tpu.wait_dma2 semaphore(%run_scoped3A : memref<!tpu.dma_semaphore, #tpu.memory_space<semaphore_mem>>) src(%dma_wait3A_292 : memref<512xi32, #tpu.memory_space<hbm>>) dst(%arg7 : memref<512xi32, #tpu.memory_space<vmem>>)
      tpu.yield
    }) : () -> ()
    "tpu.region"() ({
      %run_scoped3A = tpu.sem_alloc : memref<!tpu.dma_semaphore, #tpu.memory_space<semaphore_mem>>
      tpu.enqueue_dma source(%arg3 : memref<16xf32, #tpu.memory_space<hbm>>) target(%arg8 : memref<16xf32, #tpu.memory_space<vmem>>) target_semaphore(%run_scoped3A : memref<!tpu.dma_semaphore, #tpu.memory_space<semaphore_mem>>)
      tpu.wait_dma2 semaphore(%run_scoped3A : memref<!tpu.dma_semaphore, #tpu.memory_space<semaphore_mem>>) src(%arg3 : memref<16xf32, #tpu.memory_space<hbm>>) dst(%arg8 : memref<16xf32, #tpu.memory_space<vmem>>)
      tpu.yield
    }) : () -> ()
    "tpu.region"() ({
      %run_scoped3A = tpu.sem_alloc : memref<!tpu.dma_semaphore, #tpu.memory_space<semaphore_mem>>
      tpu.enqueue_dma source(%arg4 : memref<16xf32, #tpu.memory_space<hbm>>) target(%arg9 : memref<16xf32, #tpu.memory_space<vmem>>) target_semaphore(%run_scoped3A : memref<!tpu.dma_semaphore, #tpu.memory_space<semaphore_mem>>)
      tpu.wait_dma2 semaphore(%run_scoped3A : memref<!tpu.dma_semaphore, #tpu.memory_space<semaphore_mem>>) src(%arg4 : memref<16xf32, #tpu.memory_space<hbm>>) dst(%arg9 : memref<16xf32, #tpu.memory_space<vmem>>)
      tpu.yield
    }) : () -> ()
    %dma_start3A = arith.constant 0 : i32
    %dma_start3A_3 = arith.constant 0 : i32
    %dma_start3A_4 = arith.constant 0 : i32
    %dma_start3A_5 = arith.constant 0 : i32
    %dma_start3A_6 = tpu.memref_slice %arg10[%dma_start3A, %dma_start3A_4, %dma_start3A_5] : memref<2x128x128xf32, #tpu.memory_space<vmem>> -> memref<1x128x128xf32, #tpu.memory_space<vmem>>
    %dma_start3A_7 = tpu.memref_squeeze %dma_start3A_6 : memref<1x128x128xf32, #tpu.memory_space<vmem>> -> memref<128x128xf32, #tpu.memory_space<vmem>>
    %dma_start3A_8 = arith.constant 0 : i32
    %dma_start3A_9 = tpu.memref_slice %arg2[%mul3A_2, %dma_start3A_8] : memref<16384x128xf32, #tpu.memory_space<hbm>> -> memref<128x128xf32, #tpu.memory_space<hbm>>
    %dma_start3A_10 = tpu.memref_slice %arg12[%dma_start3A_3] : memref<2x!tpu.dma_semaphore, #tpu.memory_space<semaphore_mem>> -> memref<1x!tpu.dma_semaphore, #tpu.memory_space<semaphore_mem>>
    %dma_start3A_11 = tpu.memref_squeeze %dma_start3A_10 : memref<1x!tpu.dma_semaphore, #tpu.memory_space<semaphore_mem>> -> memref<!tpu.dma_semaphore, #tpu.memory_space<semaphore_mem>>
    %dma_start3A_12 = arith.constant 0 : i32
    %dma_start3A_13 = arith.constant 0 : i32
    %dma_start3A_14 = tpu.memref_slice %arg10[%dma_start3A, %dma_start3A_12, %dma_start3A_13] : memref<2x128x128xf32, #tpu.memory_space<vmem>> -> memref<1x128x128xf32, #tpu.memory_space<vmem>>
    %dma_start3A_15 = tpu.memref_squeeze %dma_start3A_14 : memref<1x128x128xf32, #tpu.memory_space<vmem>> -> memref<128x128xf32, #tpu.memory_space<vmem>>
    %dma_start3A_16 = arith.constant 0 : i32
    %dma_start3A_17 = tpu.memref_slice %arg2[%mul3A_2, %dma_start3A_16] : memref<16384x128xf32, #tpu.memory_space<hbm>> -> memref<128x128xf32, #tpu.memory_space<hbm>>
    tpu.enqueue_dma source(%dma_start3A_17 : memref<128x128xf32, #tpu.memory_space<hbm>>) target(%dma_start3A_15 : memref<128x128xf32, #tpu.memory_space<vmem>>) target_semaphore(%dma_start3A_11 : memref<!tpu.dma_semaphore, #tpu.memory_space<semaphore_mem>>)
    %add3A_18 = arith.constant 128 : i32
    %add3A_19 = arith.addi %mul3A_2, %add3A_18 : i32
    %dma_start3A_20 = arith.constant 1 : i32
    %dma_start3A_21 = arith.constant 1 : i32
    %dma_start3A_22 = arith.constant 0 : i32
    %dma_start3A_23 = arith.constant 0 : i32
    %dma_start3A_24 = tpu.memref_slice %arg10[%dma_start3A_20, %dma_start3A_22, %dma_start3A_23] : memref<2x128x128xf32, #tpu.memory_space<vmem>> -> memref<1x128x128xf32, #tpu.memory_space<vmem>>
    %dma_start3A_25 = tpu.memref_squeeze %dma_start3A_24 : memref<1x128x128xf32, #tpu.memory_space<vmem>> -> memref<128x128xf32, #tpu.memory_space<vmem>>
    %dma_start3A_26 = arith.constant 0 : i32
    %dma_start3A_27 = tpu.memref_slice %arg2[%add3A_19, %dma_start3A_26] : memref<16384x128xf32, #tpu.memory_space<hbm>> -> memref<128x128xf32, #tpu.memory_space<hbm>>
    %dma_start3A_28 = tpu.memref_slice %arg12[%dma_start3A_21] : memref<2x!tpu.dma_semaphore, #tpu.memory_space<semaphore_mem>> -> memref<1x!tpu.dma_semaphore, #tpu.memory_space<semaphore_mem>>
    %dma_start3A_29 = tpu.memref_squeeze %dma_start3A_28 : memref<1x!tpu.dma_semaphore, #tpu.memory_space<semaphore_mem>> -> memref<!tpu.dma_semaphore, #tpu.memory_space<semaphore_mem>>
    %dma_start3A_30 = arith.constant 0 : i32
    %dma_start3A_31 = arith.constant 0 : i32
    %dma_start3A_32 = tpu.memref_slice %arg10[%dma_start3A_20, %dma_start3A_30, %dma_start3A_31] : memref<2x128x128xf32, #tpu.memory_space<vmem>> -> memref<1x128x128xf32, #tpu.memory_space<vmem>>
    %dma_start3A_33 = tpu.memref_squeeze %dma_start3A_32 : memref<1x128x128xf32, #tpu.memory_space<vmem>> -> memref<128x128xf32, #tpu.memory_space<vmem>>
    %dma_start3A_34 = arith.constant 0 : i32
    %dma_start3A_35 = tpu.memref_slice %arg2[%add3A_19, %dma_start3A_34] : memref<16384x128xf32, #tpu.memory_space<hbm>> -> memref<128x128xf32, #tpu.memory_space<hbm>>
    tpu.enqueue_dma source(%dma_start3A_35 : memref<128x128xf32, #tpu.memory_space<hbm>>) target(%dma_start3A_33 : memref<128x128xf32, #tpu.memory_space<vmem>>) target_semaphore(%dma_start3A_29 : memref<!tpu.dma_semaphore, #tpu.memory_space<semaphore_mem>>)
    %dma_wait3A = arith.constant 0 : i32
    %dma_wait3A_36 = arith.constant 0 : i32
    %dma_wait3A_37 = arith.constant 0 : i32
    %dma_wait3A_38 = arith.constant 0 : i32
    %dma_wait3A_39 = tpu.memref_slice %arg10[%dma_wait3A, %dma_wait3A_37, %dma_wait3A_38] : memref<2x128x128xf32, #tpu.memory_space<vmem>> -> memref<1x128x128xf32, #tpu.memory_space<vmem>>
    %dma_wait3A_40 = tpu.memref_squeeze %dma_wait3A_39 : memref<1x128x128xf32, #tpu.memory_space<vmem>> -> memref<128x128xf32, #tpu.memory_space<vmem>>
    %dma_wait3A_41 = arith.constant 0 : i32
    %dma_wait3A_42 = tpu.memref_slice %arg2[%mul3A_2, %dma_wait3A_41] : memref<16384x128xf32, #tpu.memory_space<hbm>> -> memref<128x128xf32, #tpu.memory_space<hbm>>
    %dma_wait3A_43 = tpu.memref_slice %arg12[%dma_wait3A_36] : memref<2x!tpu.dma_semaphore, #tpu.memory_space<semaphore_mem>> -> memref<1x!tpu.dma_semaphore, #tpu.memory_space<semaphore_mem>>
    %dma_wait3A_44 = tpu.memref_squeeze %dma_wait3A_43 : memref<1x!tpu.dma_semaphore, #tpu.memory_space<semaphore_mem>> -> memref<!tpu.dma_semaphore, #tpu.memory_space<semaphore_mem>>
    %dma_wait3A_45 = arith.constant 0 : i32
    %dma_wait3A_46 = arith.constant 0 : i32
    %dma_wait3A_47 = tpu.memref_slice %arg10[%dma_wait3A, %dma_wait3A_45, %dma_wait3A_46] : memref<2x128x128xf32, #tpu.memory_space<vmem>> -> memref<1x128x128xf32, #tpu.memory_space<vmem>>
    %dma_wait3A_48 = tpu.memref_squeeze %dma_wait3A_47 : memref<1x128x128xf32, #tpu.memory_space<vmem>> -> memref<128x128xf32, #tpu.memory_space<vmem>>
    %dma_wait3A_49 = arith.constant 0 : i32
    %dma_wait3A_50 = tpu.memref_slice %arg2[%mul3A_2, %dma_wait3A_49] : memref<16384x128xf32, #tpu.memory_space<hbm>> -> memref<128x128xf32, #tpu.memory_space<hbm>>
    tpu.wait_dma2 semaphore(%dma_wait3A_44 : memref<!tpu.dma_semaphore, #tpu.memory_space<semaphore_mem>>) src(%dma_wait3A_50 : memref<128x128xf32, #tpu.memory_space<hbm>>) dst(%dma_wait3A_48 : memref<128x128xf32, #tpu.memory_space<vmem>>)
    %broadcast_in_dim3A = arith.constant 0 : i32
    %broadcast_in_dim3A_51 = vector.broadcast %broadcast_in_dim3A : i32 to vector<16xi32>
    %parallel_loop3A = arith.constant 0 : i32
    %parallel_loop3A_52 = arith.constant 128 : i32
    %parallel_loop3A_53 = arith.constant 1 : i32
    scf.for %parallel_loop3A_289 = %parallel_loop3A to %parallel_loop3A_52 step %parallel_loop3A_53  : i32 {
      %parallel_loop3A_290 = arith.constant 0 : i32
      %parallel_loop3A_291 = arith.addi %parallel_loop3A_290, %parallel_loop3A_289 : i32
      %parallel_loop3A_292 = vector.broadcast %parallel_loop3A_291 : i32 to vector<16xi32>
      %parallel_loop3A_293 = arith.addi %broadcast_in_dim3A_51, %parallel_loop3A_292 : vector<16xi32>
      %parallel_loop3A_294 = tpu.vector_load_idx %arg7[%parallel_loop3A_293] : memref<512xi32, #tpu.memory_space<vmem>>[vector<16xi32>], vector<16xi32>,
      %parallel_loop3A_295 = tpu.vector_load_idx %arg9[%parallel_loop3A_294] : memref<16xf32, #tpu.memory_space<vmem>>[vector<16xi32>], vector<16xf32>,
      %parallel_loop3A_296 = tpu.vector_load_idx %arg8[%parallel_loop3A_294] : memref<16xf32, #tpu.memory_space<vmem>>[vector<16xi32>], vector<16xf32>,
      %parallel_loop3A_297 = arith.constant 0 : i32
      %parallel_loop3A_298 = arith.index_cast %parallel_loop3A_297 : i32 to index
      %parallel_loop3A_299 = arith.index_cast %parallel_loop3A_289 : i32 to index
      %parallel_loop3A_300 = arith.constant 0 : index
      %parallel_loop3A_301 = tpu.vector_load %arg10[%parallel_loop3A_298, %parallel_loop3A_299, %parallel_loop3A_300] {strides = array<i32>} : memref<2x128x128xf32, #tpu.memory_space<vmem>>, vector<16xf32>,
      %parallel_loop3A_302 = arith.mulf %parallel_loop3A_301, %parallel_loop3A_295 : vector<16xf32>
      %parallel_loop3A_303 = arith.addf %parallel_loop3A_302, %parallel_loop3A_296 : vector<16xf32>
      %parallel_loop3A_304 = arith.constant 0 : i32
      %parallel_loop3A_305 = arith.index_cast %parallel_loop3A_304 : i32 to index
      %parallel_loop3A_306 = arith.index_cast %parallel_loop3A_289 : i32 to index
      %parallel_loop3A_307 = arith.constant 0 : index
      %parallel_loop3A_308 = tpu.vector_load %arg11[%parallel_loop3A_305, %parallel_loop3A_306, %parallel_loop3A_307] {strides = array<i32>} : memref<2x128x128xf32, #tpu.memory_space<vmem>>, vector<16xf32>,
      tpu.vector_store %arg11[%parallel_loop3A_305, %parallel_loop3A_306, %parallel_loop3A_307], %parallel_loop3A_303 {strides = array<i32>} : memref<2x128x128xf32, #tpu.memory_space<vmem>>, vector<16xf32>,
      %parallel_loop3A_309 = arith.constant 0 : i32
      %parallel_loop3A_310 = arith.index_cast %parallel_loop3A_309 : i32 to index
      %parallel_loop3A_311 = arith.index_cast %parallel_loop3A_289 : i32 to index
      %parallel_loop3A_312 = arith.constant 16 : index
      %parallel_loop3A_313 = tpu.vector_load %arg10[%parallel_loop3A_310, %parallel_loop3A_311, %parallel_loop3A_312] {strides = array<i32>} : memref<2x128x128xf32, #tpu.memory_space<vmem>>, vector<16xf32>,
      %parallel_loop3A_314 = arith.mulf %parallel_loop3A_313, %parallel_loop3A_295 : vector<16xf32>
      %parallel_loop3A_315 = arith.addf %parallel_loop3A_314, %parallel_loop3A_296 : vector<16xf32>
      %parallel_loop3A_316 = arith.constant 0 : i32
      %parallel_loop3A_317 = arith.index_cast %parallel_loop3A_316 : i32 to index
      %parallel_loop3A_318 = arith.index_cast %parallel_loop3A_289 : i32 to index
      %parallel_loop3A_319 = arith.constant 16 : index
      %parallel_loop3A_320 = tpu.vector_load %arg11[%parallel_loop3A_317, %parallel_loop3A_318, %parallel_loop3A_319] {strides = array<i32>} : memref<2x128x128xf32, #tpu.memory_space<vmem>>, vector<16xf32>,
      tpu.vector_store %arg11[%parallel_loop3A_317, %parallel_loop3A_318, %parallel_loop3A_319], %parallel_loop3A_315 {strides = array<i32>} : memref<2x128x128xf32, #tpu.memory_space<vmem>>, vector<16xf32>,
      %parallel_loop3A_321 = arith.constant 0 : i32
      %parallel_loop3A_322 = arith.index_cast %parallel_loop3A_321 : i32 to index
      %parallel_loop3A_323 = arith.index_cast %parallel_loop3A_289 : i32 to index
      %parallel_loop3A_324 = arith.constant 32 : index
      %parallel_loop3A_325 = tpu.vector_load %arg10[%parallel_loop3A_322, %parallel_loop3A_323, %parallel_loop3A_324] {strides = array<i32>} : memref<2x128x128xf32, #tpu.memory_space<vmem>>, vector<16xf32>,
      %parallel_loop3A_326 = arith.mulf %parallel_loop3A_325, %parallel_loop3A_295 : vector<16xf32>
      %parallel_loop3A_327 = arith.addf %parallel_loop3A_326, %parallel_loop3A_296 : vector<16xf32>
      %parallel_loop3A_328 = arith.constant 0 : i32
      %parallel_loop3A_329 = arith.index_cast %parallel_loop3A_328 : i32 to index
      %parallel_loop3A_330 = arith.index_cast %parallel_loop3A_289 : i32 to index
      %parallel_loop3A_331 = arith.constant 32 : index
      %parallel_loop3A_332 = tpu.vector_load %arg11[%parallel_loop3A_329, %parallel_loop3A_330, %parallel_loop3A_331] {strides = array<i32>} : memref<2x128x128xf32, #tpu.memory_space<vmem>>, vector<16xf32>,
      tpu.vector_store %arg11[%parallel_loop3A_329, %parallel_loop3A_330, %parallel_loop3A_331], %parallel_loop3A_327 {strides = array<i32>} : memref<2x128x128xf32, #tpu.memory_space<vmem>>, vector<16xf32>,
      %parallel_loop3A_333 = arith.constant 0 : i32
      %parallel_loop3A_334 = arith.index_cast %parallel_loop3A_333 : i32 to index
      %parallel_loop3A_335 = arith.index_cast %parallel_loop3A_289 : i32 to index
      %parallel_loop3A_336 = arith.constant 48 : index
      %parallel_loop3A_337 = tpu.vector_load %arg10[%parallel_loop3A_334, %parallel_loop3A_335, %parallel_loop3A_336] {strides = array<i32>} : memref<2x128x128xf32, #tpu.memory_space<vmem>>, vector<16xf32>,
      %parallel_loop3A_338 = arith.mulf %parallel_loop3A_337, %parallel_loop3A_295 : vector<16xf32>
      %parallel_loop3A_339 = arith.addf %parallel_loop3A_338, %parallel_loop3A_296 : vector<16xf32>
      %parallel_loop3A_340 = arith.constant 0 : i32
      %parallel_loop3A_341 = arith.index_cast %parallel_loop3A_340 : i32 to index
      %parallel_loop3A_342 = arith.index_cast %parallel_loop3A_289 : i32 to index
      %parallel_loop3A_343 = arith.constant 48 : index
      %parallel_loop3A_344 = tpu.vector_load %arg11[%parallel_loop3A_341, %parallel_loop3A_342, %parallel_loop3A_343] {strides = array<i32>} : memref<2x128x128xf32, #tpu.memory_space<vmem>>, vector<16xf32>,
      tpu.vector_store %arg11[%parallel_loop3A_341, %parallel_loop3A_342, %parallel_loop3A_343], %parallel_loop3A_339 {strides = array<i32>} : memref<2x128x128xf32, #tpu.memory_space<vmem>>, vector<16xf32>,
      %parallel_loop3A_345 = arith.constant 0 : i32
      %parallel_loop3A_346 = arith.index_cast %parallel_loop3A_345 : i32 to index
      %parallel_loop3A_347 = arith.index_cast %parallel_loop3A_289 : i32 to index
      %parallel_loop3A_348 = arith.constant 64 : index
      %parallel_loop3A_349 = tpu.vector_load %arg10[%parallel_loop3A_346, %parallel_loop3A_347, %parallel_loop3A_348] {strides = array<i32>} : memref<2x128x128xf32, #tpu.memory_space<vmem>>, vector<16xf32>,
      %parallel_loop3A_350 = arith.mulf %parallel_loop3A_349, %parallel_loop3A_295 : vector<16xf32>
      %parallel_loop3A_351 = arith.addf %parallel_loop3A_350, %parallel_loop3A_296 : vector<16xf32>
      %parallel_loop3A_352 = arith.constant 0 : i32
      %parallel_loop3A_353 = arith.index_cast %parallel_loop3A_352 : i32 to index
      %parallel_loop3A_354 = arith.index_cast %parallel_loop3A_289 : i32 to index
      %parallel_loop3A_355 = arith.constant 64 : index
      %parallel_loop3A_356 = tpu.vector_load %arg11[%parallel_loop3A_353, %parallel_loop3A_354, %parallel_loop3A_355] {strides = array<i32>} : memref<2x128x128xf32, #tpu.memory_space<vmem>>, vector<16xf32>,
      tpu.vector_store %arg11[%parallel_loop3A_353, %parallel_loop3A_354, %parallel_loop3A_355], %parallel_loop3A_351 {strides = array<i32>} : memref<2x128x128xf32, #tpu.memory_space<vmem>>, vector<16xf32>,
      %parallel_loop3A_357 = arith.constant 0 : i32
      %parallel_loop3A_358 = arith.index_cast %parallel_loop3A_357 : i32 to index
      %parallel_loop3A_359 = arith.index_cast %parallel_loop3A_289 : i32 to index
      %parallel_loop3A_360 = arith.constant 80 : index
      %parallel_loop3A_361 = tpu.vector_load %arg10[%parallel_loop3A_358, %parallel_loop3A_359, %parallel_loop3A_360] {strides = array<i32>} : memref<2x128x128xf32, #tpu.memory_space<vmem>>, vector<16xf32>,
      %parallel_loop3A_362 = arith.mulf %parallel_loop3A_361, %parallel_loop3A_295 : vector<16xf32>
      %parallel_loop3A_363 = arith.addf %parallel_loop3A_362, %parallel_loop3A_296 : vector<16xf32>
      %parallel_loop3A_364 = arith.constant 0 : i32
      %parallel_loop3A_365 = arith.index_cast %parallel_loop3A_364 : i32 to index
      %parallel_loop3A_366 = arith.index_cast %parallel_loop3A_289 : i32 to index
      %parallel_loop3A_367 = arith.constant 80 : index
      %parallel_loop3A_368 = tpu.vector_load %arg11[%parallel_loop3A_365, %parallel_loop3A_366, %parallel_loop3A_367] {strides = array<i32>} : memref<2x128x128xf32, #tpu.memory_space<vmem>>, vector<16xf32>,
      tpu.vector_store %arg11[%parallel_loop3A_365, %parallel_loop3A_366, %parallel_loop3A_367], %parallel_loop3A_363 {strides = array<i32>} : memref<2x128x128xf32, #tpu.memory_space<vmem>>, vector<16xf32>,
      %parallel_loop3A_369 = arith.constant 0 : i32
      %parallel_loop3A_370 = arith.index_cast %parallel_loop3A_369 : i32 to index
      %parallel_loop3A_371 = arith.index_cast %parallel_loop3A_289 : i32 to index
      %parallel_loop3A_372 = arith.constant 96 : index
      %parallel_loop3A_373 = tpu.vector_load %arg10[%parallel_loop3A_370, %parallel_loop3A_371, %parallel_loop3A_372] {strides = array<i32>} : memref<2x128x128xf32, #tpu.memory_space<vmem>>, vector<16xf32>,
      %parallel_loop3A_374 = arith.mulf %parallel_loop3A_373, %parallel_loop3A_295 : vector<16xf32>
      %parallel_loop3A_375 = arith.addf %parallel_loop3A_374, %parallel_loop3A_296 : vector<16xf32>
      %parallel_loop3A_376 = arith.constant 0 : i32
      %parallel_loop3A_377 = arith.index_cast %parallel_loop3A_376 : i32 to index
      %parallel_loop3A_378 = arith.index_cast %parallel_loop3A_289 : i32 to index
      %parallel_loop3A_379 = arith.constant 96 : index
      %parallel_loop3A_380 = tpu.vector_load %arg11[%parallel_loop3A_377, %parallel_loop3A_378, %parallel_loop3A_379] {strides = array<i32>} : memref<2x128x128xf32, #tpu.memory_space<vmem>>, vector<16xf32>,
      tpu.vector_store %arg11[%parallel_loop3A_377, %parallel_loop3A_378, %parallel_loop3A_379], %parallel_loop3A_375 {strides = array<i32>} : memref<2x128x128xf32, #tpu.memory_space<vmem>>, vector<16xf32>,
      %parallel_loop3A_381 = arith.constant 0 : i32
      %parallel_loop3A_382 = arith.index_cast %parallel_loop3A_381 : i32 to index
      %parallel_loop3A_383 = arith.index_cast %parallel_loop3A_289 : i32 to index
      %parallel_loop3A_384 = arith.constant 112 : index
      %parallel_loop3A_385 = tpu.vector_load %arg10[%parallel_loop3A_382, %parallel_loop3A_383, %parallel_loop3A_384] {strides = array<i32>} : memref<2x128x128xf32, #tpu.memory_space<vmem>>, vector<16xf32>,
      %parallel_loop3A_386 = arith.mulf %parallel_loop3A_385, %parallel_loop3A_295 : vector<16xf32>
      %parallel_loop3A_387 = arith.addf %parallel_loop3A_386, %parallel_loop3A_296 : vector<16xf32>
      %parallel_loop3A_388 = arith.constant 0 : i32
      %parallel_loop3A_389 = arith.index_cast %parallel_loop3A_388 : i32 to index
      %parallel_loop3A_390 = arith.index_cast %parallel_loop3A_289 : i32 to index
      %parallel_loop3A_391 = arith.constant 112 : index
      %parallel_loop3A_392 = tpu.vector_load %arg11[%parallel_loop3A_389, %parallel_loop3A_390, %parallel_loop3A_391] {strides = array<i32>} : memref<2x128x128xf32, #tpu.memory_space<vmem>>, vector<16xf32>,
      tpu.vector_store %arg11[%parallel_loop3A_389, %parallel_loop3A_390, %parallel_loop3A_391], %parallel_loop3A_387 {strides = array<i32>} : memref<2x128x128xf32, #tpu.memory_space<vmem>>, vector<16xf32>,
    } {sc.loop_unroll_factor = 4 : i64, sc.parallel_access}
    %add3A_54 = arith.constant 0 : i32
    %add3A_55 = arith.addi %mul3A_2, %add3A_54 : i32
    %dma_start3A_56 = arith.constant 0 : i32
    %dma_start3A_57 = arith.constant 0 : i32
    %dma_start3A_58 = arith.constant 0 : i32
    %dma_start3A_59 = arith.constant 0 : i32
    %dma_start3A_60 = tpu.memref_slice %arg11[%dma_start3A_56, %dma_start3A_58, %dma_start3A_59] : memref<2x128x128xf32, #tpu.memory_space<vmem>> -> memref<1x128x128xf32, #tpu.memory_space<vmem>>
    %dma_start3A_61 = tpu.memref_squeeze %dma_start3A_60 : memref<1x128x128xf32, #tpu.memory_space<vmem>> -> memref<128x128xf32, #tpu.memory_space<vmem>>
    %dma_start3A_62 = arith.constant 0 : i32
    %dma_start3A_63 = tpu.memref_slice %arg6[%add3A_55, %dma_start3A_62] : memref<16384x128xf32, #tpu.memory_space<hbm>> -> memref<128x128xf32, #tpu.memory_space<hbm>>
    %dma_start3A_64 = tpu.memref_slice %arg13[%dma_start3A_57] : memref<2x!tpu.dma_semaphore, #tpu.memory_space<semaphore_mem>> -> memref<1x!tpu.dma_semaphore, #tpu.memory_space<semaphore_mem>>
    %dma_start3A_65 = tpu.memref_squeeze %dma_start3A_64 : memref<1x!tpu.dma_semaphore, #tpu.memory_space<semaphore_mem>> -> memref<!tpu.dma_semaphore, #tpu.memory_space<semaphore_mem>>
    %dma_start3A_66 = arith.constant 0 : i32
    %dma_start3A_67 = tpu.memref_slice %arg6[%add3A_55, %dma_start3A_66] : memref<16384x128xf32, #tpu.memory_space<hbm>> -> memref<128x128xf32, #tpu.memory_space<hbm>>
    %dma_start3A_68 = arith.constant 0 : i32
    %dma_start3A_69 = arith.constant 0 : i32
    %dma_start3A_70 = tpu.memref_slice %arg11[%dma_start3A_56, %dma_start3A_68, %dma_start3A_69] : memref<2x128x128xf32, #tpu.memory_space<vmem>> -> memref<1x128x128xf32, #tpu.memory_space<vmem>>
    %dma_start3A_71 = tpu.memref_squeeze %dma_start3A_70 : memref<1x128x128xf32, #tpu.memory_space<vmem>> -> memref<128x128xf32, #tpu.memory_space<vmem>>
    tpu.enqueue_dma source(%dma_start3A_71 : memref<128x128xf32, #tpu.memory_space<vmem>>) target(%dma_start3A_67 : memref<128x128xf32, #tpu.memory_space<hbm>>) target_semaphore(%dma_start3A_65 : memref<!tpu.dma_semaphore, #tpu.memory_space<semaphore_mem>>)
    %add3A_72 = arith.constant 256 : i32
    %add3A_73 = arith.addi %mul3A_2, %add3A_72 : i32
    %dma_start3A_74 = arith.constant 0 : i32
    %dma_start3A_75 = arith.constant 0 : i32
    %dma_start3A_76 = arith.constant 0 : i32
    %dma_start3A_77 = arith.constant 0 : i32
    %dma_start3A_78 = tpu.memref_slice %arg10[%dma_start3A_74, %dma_start3A_76, %dma_start3A_77] : memref<2x128x128xf32, #tpu.memory_space<vmem>> -> memref<1x128x128xf32, #tpu.memory_space<vmem>>
    %dma_start3A_79 = tpu.memref_squeeze %dma_start3A_78 : memref<1x128x128xf32, #tpu.memory_space<vmem>> -> memref<128x128xf32, #tpu.memory_space<vmem>>
    %dma_start3A_80 = arith.constant 0 : i32
    %dma_start3A_81 = tpu.memref_slice %arg2[%add3A_73, %dma_start3A_80] : memref<16384x128xf32, #tpu.memory_space<hbm>> -> memref<128x128xf32, #tpu.memory_space<hbm>>
    %dma_start3A_82 = tpu.memref_slice %arg12[%dma_start3A_75] : memref<2x!tpu.dma_semaphore, #tpu.memory_space<semaphore_mem>> -> memref<1x!tpu.dma_semaphore, #tpu.memory_space<semaphore_mem>>
    %dma_start3A_83 = tpu.memref_squeeze %dma_start3A_82 : memref<1x!tpu.dma_semaphore, #tpu.memory_space<semaphore_mem>> -> memref<!tpu.dma_semaphore, #tpu.memory_space<semaphore_mem>>
    %dma_start3A_84 = arith.constant 0 : i32
    %dma_start3A_85 = arith.constant 0 : i32
    %dma_start3A_86 = tpu.memref_slice %arg10[%dma_start3A_74, %dma_start3A_84, %dma_start3A_85] : memref<2x128x128xf32, #tpu.memory_space<vmem>> -> memref<1x128x128xf32, #tpu.memory_space<vmem>>
    %dma_start3A_87 = tpu.memref_squeeze %dma_start3A_86 : memref<1x128x128xf32, #tpu.memory_space<vmem>> -> memref<128x128xf32, #tpu.memory_space<vmem>>
    %dma_start3A_88 = arith.constant 0 : i32
    %dma_start3A_89 = tpu.memref_slice %arg2[%add3A_73, %dma_start3A_88] : memref<16384x128xf32, #tpu.memory_space<hbm>> -> memref<128x128xf32, #tpu.memory_space<hbm>>
    tpu.enqueue_dma source(%dma_start3A_89 : memref<128x128xf32, #tpu.memory_space<hbm>>) target(%dma_start3A_87 : memref<128x128xf32, #tpu.memory_space<vmem>>) target_semaphore(%dma_start3A_83 : memref<!tpu.dma_semaphore, #tpu.memory_space<semaphore_mem>>)
    %dma_wait3A_90 = arith.constant 1 : i32
    %dma_wait3A_91 = arith.constant 1 : i32
    %dma_wait3A_92 = arith.constant 0 : i32
    %dma_wait3A_93 = arith.constant 0 : i32
    %dma_wait3A_94 = tpu.memref_slice %arg10[%dma_wait3A_90, %dma_wait3A_92, %dma_wait3A_93] : memref<2x128x128xf32, #tpu.memory_space<vmem>> -> memref<1x128x128xf32, #tpu.memory_space<vmem>>
    %dma_wait3A_95 = tpu.memref_squeeze %dma_wait3A_94 : memref<1x128x128xf32, #tpu.memory_space<vmem>> -> memref<128x128xf32, #tpu.memory_space<vmem>>
    %dma_wait3A_96 = arith.constant 0 : i32
    %dma_wait3A_97 = tpu.memref_slice %arg2[%add3A_19, %dma_wait3A_96] : memref<16384x128xf32, #tpu.memory_space<hbm>> -> memref<128x128xf32, #tpu.memory_space<hbm>>
    %dma_wait3A_98 = tpu.memref_slice %arg12[%dma_wait3A_91] : memref<2x!tpu.dma_semaphore, #tpu.memory_space<semaphore_mem>> -> memref<1x!tpu.dma_semaphore, #tpu.memory_space<semaphore_mem>>
    %dma_wait3A_99 = tpu.memref_squeeze %dma_wait3A_98 : memref<1x!tpu.dma_semaphore, #tpu.memory_space<semaphore_mem>> -> memref<!tpu.dma_semaphore, #tpu.memory_space<semaphore_mem>>
    %dma_wait3A_100 = arith.constant 0 : i32
    %dma_wait3A_101 = arith.constant 0 : i32
    %dma_wait3A_102 = tpu.memref_slice %arg10[%dma_wait3A_90, %dma_wait3A_100, %dma_wait3A_101] : memref<2x128x128xf32, #tpu.memory_space<vmem>> -> memref<1x128x128xf32, #tpu.memory_space<vmem>>
    %dma_wait3A_103 = tpu.memref_squeeze %dma_wait3A_102 : memref<1x128x128xf32, #tpu.memory_space<vmem>> -> memref<128x128xf32, #tpu.memory_space<vmem>>
    %dma_wait3A_104 = arith.constant 0 : i32
    %dma_wait3A_105 = tpu.memref_slice %arg2[%add3A_19, %dma_wait3A_104] : memref<16384x128xf32, #tpu.memory_space<hbm>> -> memref<128x128xf32, #tpu.memory_space<hbm>>
    tpu.wait_dma2 semaphore(%dma_wait3A_99 : memref<!tpu.dma_semaphore, #tpu.memory_space<semaphore_mem>>) src(%dma_wait3A_105 : memref<128x128xf32, #tpu.memory_space<hbm>>) dst(%dma_wait3A_103 : memref<128x128xf32, #tpu.memory_space<vmem>>)
    %broadcast_in_dim3A_106 = arith.constant 0 : i32
    %broadcast_in_dim3A_107 = vector.broadcast %broadcast_in_dim3A_106 : i32 to vector<16xi32>
    %parallel_loop3A_108 = arith.constant 0 : i32
    %parallel_loop3A_109 = arith.constant 128 : i32
    %parallel_loop3A_110 = arith.constant 1 : i32
    scf.for %parallel_loop3A_289 = %parallel_loop3A_108 to %parallel_loop3A_109 step %parallel_loop3A_110  : i32 {
      %parallel_loop3A_290 = arith.constant 128 : i32
      %parallel_loop3A_291 = arith.addi %parallel_loop3A_290, %parallel_loop3A_289 : i32
      %parallel_loop3A_292 = vector.broadcast %parallel_loop3A_291 : i32 to vector<16xi32>
      %parallel_loop3A_293 = arith.addi %broadcast_in_dim3A_107, %parallel_loop3A_292 : vector<16xi32>
      %parallel_loop3A_294 = tpu.vector_load_idx %arg7[%parallel_loop3A_293] : memref<512xi32, #tpu.memory_space<vmem>>[vector<16xi32>], vector<16xi32>,
      %parallel_loop3A_295 = tpu.vector_load_idx %arg9[%parallel_loop3A_294] : memref<16xf32, #tpu.memory_space<vmem>>[vector<16xi32>], vector<16xf32>,
      %parallel_loop3A_296 = tpu.vector_load_idx %arg8[%parallel_loop3A_294] : memref<16xf32, #tpu.memory_space<vmem>>[vector<16xi32>], vector<16xf32>,
      %parallel_loop3A_297 = arith.constant 1 : i32
      %parallel_loop3A_298 = arith.index_cast %parallel_loop3A_297 : i32 to index
      %parallel_loop3A_299 = arith.index_cast %parallel_loop3A_289 : i32 to index
      %parallel_loop3A_300 = arith.constant 0 : index
      %parallel_loop3A_301 = tpu.vector_load %arg10[%parallel_loop3A_298, %parallel_loop3A_299, %parallel_loop3A_300] {strides = array<i32>} : memref<2x128x128xf32, #tpu.memory_space<vmem>>, vector<16xf32>,
      %parallel_loop3A_302 = arith.mulf %parallel_loop3A_301, %parallel_loop3A_295 : vector<16xf32>
      %parallel_loop3A_303 = arith.addf %parallel_loop3A_302, %parallel_loop3A_296 : vector<16xf32>
      %parallel_loop3A_304 = arith.constant 1 : i32
      %parallel_loop3A_305 = arith.index_cast %parallel_loop3A_304 : i32 to index
      %parallel_loop3A_306 = arith.index_cast %parallel_loop3A_289 : i32 to index
      %parallel_loop3A_307 = arith.constant 0 : index
      %parallel_loop3A_308 = tpu.vector_load %arg11[%parallel_loop3A_305, %parallel_loop3A_306, %parallel_loop3A_307] {strides = array<i32>} : memref<2x128x128xf32, #tpu.memory_space<vmem>>, vector<16xf32>,
      tpu.vector_store %arg11[%parallel_loop3A_305, %parallel_loop3A_306, %parallel_loop3A_307], %parallel_loop3A_303 {strides = array<i32>} : memref<2x128x128xf32, #tpu.memory_space<vmem>>, vector<16xf32>,
      %parallel_loop3A_309 = arith.constant 1 : i32
      %parallel_loop3A_310 = arith.index_cast %parallel_loop3A_309 : i32 to index
      %parallel_loop3A_311 = arith.index_cast %parallel_loop3A_289 : i32 to index
      %parallel_loop3A_312 = arith.constant 16 : index
      %parallel_loop3A_313 = tpu.vector_load %arg10[%parallel_loop3A_310, %parallel_loop3A_311, %parallel_loop3A_312] {strides = array<i32>} : memref<2x128x128xf32, #tpu.memory_space<vmem>>, vector<16xf32>,
      %parallel_loop3A_314 = arith.mulf %parallel_loop3A_313, %parallel_loop3A_295 : vector<16xf32>
      %parallel_loop3A_315 = arith.addf %parallel_loop3A_314, %parallel_loop3A_296 : vector<16xf32>
      %parallel_loop3A_316 = arith.constant 1 : i32
      %parallel_loop3A_317 = arith.index_cast %parallel_loop3A_316 : i32 to index
      %parallel_loop3A_318 = arith.index_cast %parallel_loop3A_289 : i32 to index
      %parallel_loop3A_319 = arith.constant 16 : index
      %parallel_loop3A_320 = tpu.vector_load %arg11[%parallel_loop3A_317, %parallel_loop3A_318, %parallel_loop3A_319] {strides = array<i32>} : memref<2x128x128xf32, #tpu.memory_space<vmem>>, vector<16xf32>,
      tpu.vector_store %arg11[%parallel_loop3A_317, %parallel_loop3A_318, %parallel_loop3A_319], %parallel_loop3A_315 {strides = array<i32>} : memref<2x128x128xf32, #tpu.memory_space<vmem>>, vector<16xf32>,
      %parallel_loop3A_321 = arith.constant 1 : i32
      %parallel_loop3A_322 = arith.index_cast %parallel_loop3A_321 : i32 to index
      %parallel_loop3A_323 = arith.index_cast %parallel_loop3A_289 : i32 to index
      %parallel_loop3A_324 = arith.constant 32 : index
      %parallel_loop3A_325 = tpu.vector_load %arg10[%parallel_loop3A_322, %parallel_loop3A_323, %parallel_loop3A_324] {strides = array<i32>} : memref<2x128x128xf32, #tpu.memory_space<vmem>>, vector<16xf32>,
      %parallel_loop3A_326 = arith.mulf %parallel_loop3A_325, %parallel_loop3A_295 : vector<16xf32>
      %parallel_loop3A_327 = arith.addf %parallel_loop3A_326, %parallel_loop3A_296 : vector<16xf32>
      %parallel_loop3A_328 = arith.constant 1 : i32
      %parallel_loop3A_329 = arith.index_cast %parallel_loop3A_328 : i32 to index
      %parallel_loop3A_330 = arith.index_cast %parallel_loop3A_289 : i32 to index
      %parallel_loop3A_331 = arith.constant 32 : index
      %parallel_loop3A_332 = tpu.vector_load %arg11[%parallel_loop3A_329, %parallel_loop3A_330, %parallel_loop3A_331] {strides = array<i32>} : memref<2x128x128xf32, #tpu.memory_space<vmem>>, vector<16xf32>,
      tpu.vector_store %arg11[%parallel_loop3A_329, %parallel_loop3A_330, %parallel_loop3A_331], %parallel_loop3A_327 {strides = array<i32>} : memref<2x128x128xf32, #tpu.memory_space<vmem>>, vector<16xf32>,
      %parallel_loop3A_333 = arith.constant 1 : i32
      %parallel_loop3A_334 = arith.index_cast %parallel_loop3A_333 : i32 to index
      %parallel_loop3A_335 = arith.index_cast %parallel_loop3A_289 : i32 to index
      %parallel_loop3A_336 = arith.constant 48 : index
      %parallel_loop3A_337 = tpu.vector_load %arg10[%parallel_loop3A_334, %parallel_loop3A_335, %parallel_loop3A_336] {strides = array<i32>} : memref<2x128x128xf32, #tpu.memory_space<vmem>>, vector<16xf32>,
      %parallel_loop3A_338 = arith.mulf %parallel_loop3A_337, %parallel_loop3A_295 : vector<16xf32>
      %parallel_loop3A_339 = arith.addf %parallel_loop3A_338, %parallel_loop3A_296 : vector<16xf32>
      %parallel_loop3A_340 = arith.constant 1 : i32
      %parallel_loop3A_341 = arith.index_cast %parallel_loop3A_340 : i32 to index
      %parallel_loop3A_342 = arith.index_cast %parallel_loop3A_289 : i32 to index
      %parallel_loop3A_343 = arith.constant 48 : index
      %parallel_loop3A_344 = tpu.vector_load %arg11[%parallel_loop3A_341, %parallel_loop3A_342, %parallel_loop3A_343] {strides = array<i32>} : memref<2x128x128xf32, #tpu.memory_space<vmem>>, vector<16xf32>,
      tpu.vector_store %arg11[%parallel_loop3A_341, %parallel_loop3A_342, %parallel_loop3A_343], %parallel_loop3A_339 {strides = array<i32>} : memref<2x128x128xf32, #tpu.memory_space<vmem>>, vector<16xf32>,
      %parallel_loop3A_345 = arith.constant 1 : i32
      %parallel_loop3A_346 = arith.index_cast %parallel_loop3A_345 : i32 to index
      %parallel_loop3A_347 = arith.index_cast %parallel_loop3A_289 : i32 to index
      %parallel_loop3A_348 = arith.constant 64 : index
      %parallel_loop3A_349 = tpu.vector_load %arg10[%parallel_loop3A_346, %parallel_loop3A_347, %parallel_loop3A_348] {strides = array<i32>} : memref<2x128x128xf32, #tpu.memory_space<vmem>>, vector<16xf32>,
      %parallel_loop3A_350 = arith.mulf %parallel_loop3A_349, %parallel_loop3A_295 : vector<16xf32>
      %parallel_loop3A_351 = arith.addf %parallel_loop3A_350, %parallel_loop3A_296 : vector<16xf32>
      %parallel_loop3A_352 = arith.constant 1 : i32
      %parallel_loop3A_353 = arith.index_cast %parallel_loop3A_352 : i32 to index
      %parallel_loop3A_354 = arith.index_cast %parallel_loop3A_289 : i32 to index
      %parallel_loop3A_355 = arith.constant 64 : index
      %parallel_loop3A_356 = tpu.vector_load %arg11[%parallel_loop3A_353, %parallel_loop3A_354, %parallel_loop3A_355] {strides = array<i32>} : memref<2x128x128xf32, #tpu.memory_space<vmem>>, vector<16xf32>,
      tpu.vector_store %arg11[%parallel_loop3A_353, %parallel_loop3A_354, %parallel_loop3A_355], %parallel_loop3A_351 {strides = array<i32>} : memref<2x128x128xf32, #tpu.memory_space<vmem>>, vector<16xf32>,
      %parallel_loop3A_357 = arith.constant 1 : i32
      %parallel_loop3A_358 = arith.index_cast %parallel_loop3A_357 : i32 to index
      %parallel_loop3A_359 = arith.index_cast %parallel_loop3A_289 : i32 to index
      %parallel_loop3A_360 = arith.constant 80 : index
      %parallel_loop3A_361 = tpu.vector_load %arg10[%parallel_loop3A_358, %parallel_loop3A_359, %parallel_loop3A_360] {strides = array<i32>} : memref<2x128x128xf32, #tpu.memory_space<vmem>>, vector<16xf32>,
      %parallel_loop3A_362 = arith.mulf %parallel_loop3A_361, %parallel_loop3A_295 : vector<16xf32>
      %parallel_loop3A_363 = arith.addf %parallel_loop3A_362, %parallel_loop3A_296 : vector<16xf32>
      %parallel_loop3A_364 = arith.constant 1 : i32
      %parallel_loop3A_365 = arith.index_cast %parallel_loop3A_364 : i32 to index
      %parallel_loop3A_366 = arith.index_cast %parallel_loop3A_289 : i32 to index
      %parallel_loop3A_367 = arith.constant 80 : index
      %parallel_loop3A_368 = tpu.vector_load %arg11[%parallel_loop3A_365, %parallel_loop3A_366, %parallel_loop3A_367] {strides = array<i32>} : memref<2x128x128xf32, #tpu.memory_space<vmem>>, vector<16xf32>,
      tpu.vector_store %arg11[%parallel_loop3A_365, %parallel_loop3A_366, %parallel_loop3A_367], %parallel_loop3A_363 {strides = array<i32>} : memref<2x128x128xf32, #tpu.memory_space<vmem>>, vector<16xf32>,
      %parallel_loop3A_369 = arith.constant 1 : i32
      %parallel_loop3A_370 = arith.index_cast %parallel_loop3A_369 : i32 to index
      %parallel_loop3A_371 = arith.index_cast %parallel_loop3A_289 : i32 to index
      %parallel_loop3A_372 = arith.constant 96 : index
      %parallel_loop3A_373 = tpu.vector_load %arg10[%parallel_loop3A_370, %parallel_loop3A_371, %parallel_loop3A_372] {strides = array<i32>} : memref<2x128x128xf32, #tpu.memory_space<vmem>>, vector<16xf32>,
      %parallel_loop3A_374 = arith.mulf %parallel_loop3A_373, %parallel_loop3A_295 : vector<16xf32>
      %parallel_loop3A_375 = arith.addf %parallel_loop3A_374, %parallel_loop3A_296 : vector<16xf32>
      %parallel_loop3A_376 = arith.constant 1 : i32
      %parallel_loop3A_377 = arith.index_cast %parallel_loop3A_376 : i32 to index
      %parallel_loop3A_378 = arith.index_cast %parallel_loop3A_289 : i32 to index
      %parallel_loop3A_379 = arith.constant 96 : index
      %parallel_loop3A_380 = tpu.vector_load %arg11[%parallel_loop3A_377, %parallel_loop3A_378, %parallel_loop3A_379] {strides = array<i32>} : memref<2x128x128xf32, #tpu.memory_space<vmem>>, vector<16xf32>,
      tpu.vector_store %arg11[%parallel_loop3A_377, %parallel_loop3A_378, %parallel_loop3A_379], %parallel_loop3A_375 {strides = array<i32>} : memref<2x128x128xf32, #tpu.memory_space<vmem>>, vector<16xf32>,
      %parallel_loop3A_381 = arith.constant 1 : i32
      %parallel_loop3A_382 = arith.index_cast %parallel_loop3A_381 : i32 to index
      %parallel_loop3A_383 = arith.index_cast %parallel_loop3A_289 : i32 to index
      %parallel_loop3A_384 = arith.constant 112 : index
      %parallel_loop3A_385 = tpu.vector_load %arg10[%parallel_loop3A_382, %parallel_loop3A_383, %parallel_loop3A_384] {strides = array<i32>} : memref<2x128x128xf32, #tpu.memory_space<vmem>>, vector<16xf32>,
      %parallel_loop3A_386 = arith.mulf %parallel_loop3A_385, %parallel_loop3A_295 : vector<16xf32>
      %parallel_loop3A_387 = arith.addf %parallel_loop3A_386, %parallel_loop3A_296 : vector<16xf32>
      %parallel_loop3A_388 = arith.constant 1 : i32
      %parallel_loop3A_389 = arith.index_cast %parallel_loop3A_388 : i32 to index
      %parallel_loop3A_390 = arith.index_cast %parallel_loop3A_289 : i32 to index
      %parallel_loop3A_391 = arith.constant 112 : index
      %parallel_loop3A_392 = tpu.vector_load %arg11[%parallel_loop3A_389, %parallel_loop3A_390, %parallel_loop3A_391] {strides = array<i32>} : memref<2x128x128xf32, #tpu.memory_space<vmem>>, vector<16xf32>,
      tpu.vector_store %arg11[%parallel_loop3A_389, %parallel_loop3A_390, %parallel_loop3A_391], %parallel_loop3A_387 {strides = array<i32>} : memref<2x128x128xf32, #tpu.memory_space<vmem>>, vector<16xf32>,
    } {sc.loop_unroll_factor = 4 : i64, sc.parallel_access}
    %add3A_111 = arith.constant 128 : i32
    %add3A_112 = arith.addi %mul3A_2, %add3A_111 : i32
    %dma_start3A_113 = arith.constant 1 : i32
    %dma_start3A_114 = arith.constant 1 : i32
    %dma_start3A_115 = arith.constant 0 : i32
    %dma_start3A_116 = arith.constant 0 : i32
    %dma_start3A_117 = tpu.memref_slice %arg11[%dma_start3A_113, %dma_start3A_115, %dma_start3A_116] : memref<2x128x128xf32, #tpu.memory_space<vmem>> -> memref<1x128x128xf32, #tpu.memory_space<vmem>>
    %dma_start3A_118 = tpu.memref_squeeze %dma_start3A_117 : memref<1x128x128xf32, #tpu.memory_space<vmem>> -> memref<128x128xf32, #tpu.memory_space<vmem>>
    %dma_start3A_119 = arith.constant 0 : i32
    %dma_start3A_120 = tpu.memref_slice %arg6[%add3A_112, %dma_start3A_119] : memref<16384x128xf32, #tpu.memory_space<hbm>> -> memref<128x128xf32, #tpu.memory_space<hbm>>
    %dma_start3A_121 = tpu.memref_slice %arg13[%dma_start3A_114] : memref<2x!tpu.dma_semaphore, #tpu.memory_space<semaphore_mem>> -> memref<1x!tpu.dma_semaphore, #tpu.memory_space<semaphore_mem>>
    %dma_start3A_122 = tpu.memref_squeeze %dma_start3A_121 : memref<1x!tpu.dma_semaphore, #tpu.memory_space<semaphore_mem>> -> memref<!tpu.dma_semaphore, #tpu.memory_space<semaphore_mem>>
    %dma_start3A_123 = arith.constant 0 : i32
    %dma_start3A_124 = tpu.memref_slice %arg6[%add3A_112, %dma_start3A_123] : memref<16384x128xf32, #tpu.memory_space<hbm>> -> memref<128x128xf32, #tpu.memory_space<hbm>>
    %dma_start3A_125 = arith.constant 0 : i32
    %dma_start3A_126 = arith.constant 0 : i32
    %dma_start3A_127 = tpu.memref_slice %arg11[%dma_start3A_113, %dma_start3A_125, %dma_start3A_126] : memref<2x128x128xf32, #tpu.memory_space<vmem>> -> memref<1x128x128xf32, #tpu.memory_space<vmem>>
    %dma_start3A_128 = tpu.memref_squeeze %dma_start3A_127 : memref<1x128x128xf32, #tpu.memory_space<vmem>> -> memref<128x128xf32, #tpu.memory_space<vmem>>
    tpu.enqueue_dma source(%dma_start3A_128 : memref<128x128xf32, #tpu.memory_space<vmem>>) target(%dma_start3A_124 : memref<128x128xf32, #tpu.memory_space<hbm>>) target_semaphore(%dma_start3A_122 : memref<!tpu.dma_semaphore, #tpu.memory_space<semaphore_mem>>)
    %add3A_129 = arith.constant 384 : i32
    %add3A_130 = arith.addi %mul3A_2, %add3A_129 : i32
    %dma_start3A_131 = arith.constant 1 : i32
    %dma_start3A_132 = arith.constant 1 : i32
    %dma_start3A_133 = arith.constant 0 : i32
    %dma_start3A_134 = arith.constant 0 : i32
    %dma_start3A_135 = tpu.memref_slice %arg10[%dma_start3A_131, %dma_start3A_133, %dma_start3A_134] : memref<2x128x128xf32, #tpu.memory_space<vmem>> -> memref<1x128x128xf32, #tpu.memory_space<vmem>>
    %dma_start3A_136 = tpu.memref_squeeze %dma_start3A_135 : memref<1x128x128xf32, #tpu.memory_space<vmem>> -> memref<128x128xf32, #tpu.memory_space<vmem>>
    %dma_start3A_137 = arith.constant 0 : i32
    %dma_start3A_138 = tpu.memref_slice %arg2[%add3A_130, %dma_start3A_137] : memref<16384x128xf32, #tpu.memory_space<hbm>> -> memref<128x128xf32, #tpu.memory_space<hbm>>
    %dma_start3A_139 = tpu.memref_slice %arg12[%dma_start3A_132] : memref<2x!tpu.dma_semaphore, #tpu.memory_space<semaphore_mem>> -> memref<1x!tpu.dma_semaphore, #tpu.memory_space<semaphore_mem>>
    %dma_start3A_140 = tpu.memref_squeeze %dma_start3A_139 : memref<1x!tpu.dma_semaphore, #tpu.memory_space<semaphore_mem>> -> memref<!tpu.dma_semaphore, #tpu.memory_space<semaphore_mem>>
    %dma_start3A_141 = arith.constant 0 : i32
    %dma_start3A_142 = arith.constant 0 : i32
    %dma_start3A_143 = tpu.memref_slice %arg10[%dma_start3A_131, %dma_start3A_141, %dma_start3A_142] : memref<2x128x128xf32, #tpu.memory_space<vmem>> -> memref<1x128x128xf32, #tpu.memory_space<vmem>>
    %dma_start3A_144 = tpu.memref_squeeze %dma_start3A_143 : memref<1x128x128xf32, #tpu.memory_space<vmem>> -> memref<128x128xf32, #tpu.memory_space<vmem>>
    %dma_start3A_145 = arith.constant 0 : i32
    %dma_start3A_146 = tpu.memref_slice %arg2[%add3A_130, %dma_start3A_145] : memref<16384x128xf32, #tpu.memory_space<hbm>> -> memref<128x128xf32, #tpu.memory_space<hbm>>
    tpu.enqueue_dma source(%dma_start3A_146 : memref<128x128xf32, #tpu.memory_space<hbm>>) target(%dma_start3A_144 : memref<128x128xf32, #tpu.memory_space<vmem>>) target_semaphore(%dma_start3A_140 : memref<!tpu.dma_semaphore, #tpu.memory_space<semaphore_mem>>)
    %dma_wait3A_147 = arith.constant 0 : i32
    %dma_wait3A_148 = arith.constant 0 : i32
    %dma_wait3A_149 = arith.constant 0 : i32
    %dma_wait3A_150 = arith.constant 0 : i32
    %dma_wait3A_151 = tpu.memref_slice %arg10[%dma_wait3A_147, %dma_wait3A_149, %dma_wait3A_150] : memref<2x128x128xf32, #tpu.memory_space<vmem>> -> memref<1x128x128xf32, #tpu.memory_space<vmem>>
    %dma_wait3A_152 = tpu.memref_squeeze %dma_wait3A_151 : memref<1x128x128xf32, #tpu.memory_space<vmem>> -> memref<128x128xf32, #tpu.memory_space<vmem>>
    %dma_wait3A_153 = arith.constant 0 : i32
    %dma_wait3A_154 = tpu.memref_slice %arg2[%add3A_73, %dma_wait3A_153] : memref<16384x128xf32, #tpu.memory_space<hbm>> -> memref<128x128xf32, #tpu.memory_space<hbm>>
    %dma_wait3A_155 = tpu.memref_slice %arg12[%dma_wait3A_148] : memref<2x!tpu.dma_semaphore, #tpu.memory_space<semaphore_mem>> -> memref<1x!tpu.dma_semaphore, #tpu.memory_space<semaphore_mem>>
    %dma_wait3A_156 = tpu.memref_squeeze %dma_wait3A_155 : memref<1x!tpu.dma_semaphore, #tpu.memory_space<semaphore_mem>> -> memref<!tpu.dma_semaphore, #tpu.memory_space<semaphore_mem>>
    %dma_wait3A_157 = arith.constant 0 : i32
    %dma_wait3A_158 = arith.constant 0 : i32
    %dma_wait3A_159 = tpu.memref_slice %arg10[%dma_wait3A_147, %dma_wait3A_157, %dma_wait3A_158] : memref<2x128x128xf32, #tpu.memory_space<vmem>> -> memref<1x128x128xf32, #tpu.memory_space<vmem>>
    %dma_wait3A_160 = tpu.memref_squeeze %dma_wait3A_159 : memref<1x128x128xf32, #tpu.memory_space<vmem>> -> memref<128x128xf32, #tpu.memory_space<vmem>>
    %dma_wait3A_161 = arith.constant 0 : i32
    %dma_wait3A_162 = tpu.memref_slice %arg2[%add3A_73, %dma_wait3A_161] : memref<16384x128xf32, #tpu.memory_space<hbm>> -> memref<128x128xf32, #tpu.memory_space<hbm>>
    tpu.wait_dma2 semaphore(%dma_wait3A_156 : memref<!tpu.dma_semaphore, #tpu.memory_space<semaphore_mem>>) src(%dma_wait3A_162 : memref<128x128xf32, #tpu.memory_space<hbm>>) dst(%dma_wait3A_160 : memref<128x128xf32, #tpu.memory_space<vmem>>)
    %dma_wait3A_163 = arith.constant 0 : i32
    %dma_wait3A_164 = arith.constant 0 : i32
    %dma_wait3A_165 = arith.constant 0 : i32
    %dma_wait3A_166 = arith.constant 0 : i32
    %dma_wait3A_167 = tpu.memref_slice %arg11[%dma_wait3A_163, %dma_wait3A_165, %dma_wait3A_166] : memref<2x128x128xf32, #tpu.memory_space<vmem>> -> memref<1x128x128xf32, #tpu.memory_space<vmem>>
    %dma_wait3A_168 = tpu.memref_squeeze %dma_wait3A_167 : memref<1x128x128xf32, #tpu.memory_space<vmem>> -> memref<128x128xf32, #tpu.memory_space<vmem>>
    %dma_wait3A_169 = arith.constant 0 : i32
    %dma_wait3A_170 = tpu.memref_slice %arg6[%add3A_55, %dma_wait3A_169] : memref<16384x128xf32, #tpu.memory_space<hbm>> -> memref<128x128xf32, #tpu.memory_space<hbm>>
    %dma_wait3A_171 = tpu.memref_slice %arg13[%dma_wait3A_164] : memref<2x!tpu.dma_semaphore, #tpu.memory_space<semaphore_mem>> -> memref<1x!tpu.dma_semaphore, #tpu.memory_space<semaphore_mem>>
    %dma_wait3A_172 = tpu.memref_squeeze %dma_wait3A_171 : memref<1x!tpu.dma_semaphore, #tpu.memory_space<semaphore_mem>> -> memref<!tpu.dma_semaphore, #tpu.memory_space<semaphore_mem>>
    %dma_wait3A_173 = arith.constant 0 : i32
    %dma_wait3A_174 = tpu.memref_slice %arg6[%add3A_55, %dma_wait3A_173] : memref<16384x128xf32, #tpu.memory_space<hbm>> -> memref<128x128xf32, #tpu.memory_space<hbm>>
    %dma_wait3A_175 = arith.constant 0 : i32
    %dma_wait3A_176 = arith.constant 0 : i32
    %dma_wait3A_177 = tpu.memref_slice %arg11[%dma_wait3A_163, %dma_wait3A_175, %dma_wait3A_176] : memref<2x128x128xf32, #tpu.memory_space<vmem>> -> memref<1x128x128xf32, #tpu.memory_space<vmem>>
    %dma_wait3A_178 = tpu.memref_squeeze %dma_wait3A_177 : memref<1x128x128xf32, #tpu.memory_space<vmem>> -> memref<128x128xf32, #tpu.memory_space<vmem>>
    tpu.wait_dma2 semaphore(%dma_wait3A_172 : memref<!tpu.dma_semaphore, #tpu.memory_space<semaphore_mem>>) src(%dma_wait3A_178 : memref<128x128xf32, #tpu.memory_space<vmem>>) dst(%dma_wait3A_174 : memref<128x128xf32, #tpu.memory_space<hbm>>)
    %broadcast_in_dim3A_179 = arith.constant 0 : i32
    %broadcast_in_dim3A_180 = vector.broadcast %broadcast_in_dim3A_179 : i32 to vector<16xi32>
    %parallel_loop3A_181 = arith.constant 0 : i32
    %parallel_loop3A_182 = arith.constant 128 : i32
    %parallel_loop3A_183 = arith.constant 1 : i32
    scf.for %parallel_loop3A_289 = %parallel_loop3A_181 to %parallel_loop3A_182 step %parallel_loop3A_183  : i32 {
      %parallel_loop3A_290 = arith.constant 256 : i32
      %parallel_loop3A_291 = arith.addi %parallel_loop3A_290, %parallel_loop3A_289 : i32
      %parallel_loop3A_292 = vector.broadcast %parallel_loop3A_291 : i32 to vector<16xi32>
      %parallel_loop3A_293 = arith.addi %broadcast_in_dim3A_180, %parallel_loop3A_292 : vector<16xi32>
      %parallel_loop3A_294 = tpu.vector_load_idx %arg7[%parallel_loop3A_293] : memref<512xi32, #tpu.memory_space<vmem>>[vector<16xi32>], vector<16xi32>,
      %parallel_loop3A_295 = tpu.vector_load_idx %arg9[%parallel_loop3A_294] : memref<16xf32, #tpu.memory_space<vmem>>[vector<16xi32>], vector<16xf32>,
      %parallel_loop3A_296 = tpu.vector_load_idx %arg8[%parallel_loop3A_294] : memref<16xf32, #tpu.memory_space<vmem>>[vector<16xi32>], vector<16xf32>,
      %parallel_loop3A_297 = arith.constant 0 : i32
      %parallel_loop3A_298 = arith.index_cast %parallel_loop3A_297 : i32 to index
      %parallel_loop3A_299 = arith.index_cast %parallel_loop3A_289 : i32 to index
      %parallel_loop3A_300 = arith.constant 0 : index
      %parallel_loop3A_301 = tpu.vector_load %arg10[%parallel_loop3A_298, %parallel_loop3A_299, %parallel_loop3A_300] {strides = array<i32>} : memref<2x128x128xf32, #tpu.memory_space<vmem>>, vector<16xf32>,
      %parallel_loop3A_302 = arith.mulf %parallel_loop3A_301, %parallel_loop3A_295 : vector<16xf32>
      %parallel_loop3A_303 = arith.addf %parallel_loop3A_302, %parallel_loop3A_296 : vector<16xf32>
      %parallel_loop3A_304 = arith.constant 0 : i32
      %parallel_loop3A_305 = arith.index_cast %parallel_loop3A_304 : i32 to index
      %parallel_loop3A_306 = arith.index_cast %parallel_loop3A_289 : i32 to index
      %parallel_loop3A_307 = arith.constant 0 : index
      %parallel_loop3A_308 = tpu.vector_load %arg11[%parallel_loop3A_305, %parallel_loop3A_306, %parallel_loop3A_307] {strides = array<i32>} : memref<2x128x128xf32, #tpu.memory_space<vmem>>, vector<16xf32>,
      tpu.vector_store %arg11[%parallel_loop3A_305, %parallel_loop3A_306, %parallel_loop3A_307], %parallel_loop3A_303 {strides = array<i32>} : memref<2x128x128xf32, #tpu.memory_space<vmem>>, vector<16xf32>,
      %parallel_loop3A_309 = arith.constant 0 : i32
      %parallel_loop3A_310 = arith.index_cast %parallel_loop3A_309 : i32 to index
      %parallel_loop3A_311 = arith.index_cast %parallel_loop3A_289 : i32 to index
      %parallel_loop3A_312 = arith.constant 16 : index
      %parallel_loop3A_313 = tpu.vector_load %arg10[%parallel_loop3A_310, %parallel_loop3A_311, %parallel_loop3A_312] {strides = array<i32>} : memref<2x128x128xf32, #tpu.memory_space<vmem>>, vector<16xf32>,
      %parallel_loop3A_314 = arith.mulf %parallel_loop3A_313, %parallel_loop3A_295 : vector<16xf32>
      %parallel_loop3A_315 = arith.addf %parallel_loop3A_314, %parallel_loop3A_296 : vector<16xf32>
      %parallel_loop3A_316 = arith.constant 0 : i32
      %parallel_loop3A_317 = arith.index_cast %parallel_loop3A_316 : i32 to index
      %parallel_loop3A_318 = arith.index_cast %parallel_loop3A_289 : i32 to index
      %parallel_loop3A_319 = arith.constant 16 : index
      %parallel_loop3A_320 = tpu.vector_load %arg11[%parallel_loop3A_317, %parallel_loop3A_318, %parallel_loop3A_319] {strides = array<i32>} : memref<2x128x128xf32, #tpu.memory_space<vmem>>, vector<16xf32>,
      tpu.vector_store %arg11[%parallel_loop3A_317, %parallel_loop3A_318, %parallel_loop3A_319], %parallel_loop3A_315 {strides = array<i32>} : memref<2x128x128xf32, #tpu.memory_space<vmem>>, vector<16xf32>,
      %parallel_loop3A_321 = arith.constant 0 : i32
      %parallel_loop3A_322 = arith.index_cast %parallel_loop3A_321 : i32 to index
      %parallel_loop3A_323 = arith.index_cast %parallel_loop3A_289 : i32 to index
      %parallel_loop3A_324 = arith.constant 32 : index
      %parallel_loop3A_325 = tpu.vector_load %arg10[%parallel_loop3A_322, %parallel_loop3A_323, %parallel_loop3A_324] {strides = array<i32>} : memref<2x128x128xf32, #tpu.memory_space<vmem>>, vector<16xf32>,
      %parallel_loop3A_326 = arith.mulf %parallel_loop3A_325, %parallel_loop3A_295 : vector<16xf32>
      %parallel_loop3A_327 = arith.addf %parallel_loop3A_326, %parallel_loop3A_296 : vector<16xf32>
      %parallel_loop3A_328 = arith.constant 0 : i32
      %parallel_loop3A_329 = arith.index_cast %parallel_loop3A_328 : i32 to index
      %parallel_loop3A_330 = arith.index_cast %parallel_loop3A_289 : i32 to index
      %parallel_loop3A_331 = arith.constant 32 : index
      %parallel_loop3A_332 = tpu.vector_load %arg11[%parallel_loop3A_329, %parallel_loop3A_330, %parallel_loop3A_331] {strides = array<i32>} : memref<2x128x128xf32, #tpu.memory_space<vmem>>, vector<16xf32>,
      tpu.vector_store %arg11[%parallel_loop3A_329, %parallel_loop3A_330, %parallel_loop3A_331], %parallel_loop3A_327 {strides = array<i32>} : memref<2x128x128xf32, #tpu.memory_space<vmem>>, vector<16xf32>,
      %parallel_loop3A_333 = arith.constant 0 : i32
      %parallel_loop3A_334 = arith.index_cast %parallel_loop3A_333 : i32 to index
      %parallel_loop3A_335 = arith.index_cast %parallel_loop3A_289 : i32 to index
      %parallel_loop3A_336 = arith.constant 48 : index
      %parallel_loop3A_337 = tpu.vector_load %arg10[%parallel_loop3A_334, %parallel_loop3A_335, %parallel_loop3A_336] {strides = array<i32>} : memref<2x128x128xf32, #tpu.memory_space<vmem>>, vector<16xf32>,
      %parallel_loop3A_338 = arith.mulf %parallel_loop3A_337, %parallel_loop3A_295 : vector<16xf32>
      %parallel_loop3A_339 = arith.addf %parallel_loop3A_338, %parallel_loop3A_296 : vector<16xf32>
      %parallel_loop3A_340 = arith.constant 0 : i32
      %parallel_loop3A_341 = arith.index_cast %parallel_loop3A_340 : i32 to index
      %parallel_loop3A_342 = arith.index_cast %parallel_loop3A_289 : i32 to index
      %parallel_loop3A_343 = arith.constant 48 : index
      %parallel_loop3A_344 = tpu.vector_load %arg11[%parallel_loop3A_341, %parallel_loop3A_342, %parallel_loop3A_343] {strides = array<i32>} : memref<2x128x128xf32, #tpu.memory_space<vmem>>, vector<16xf32>,
      tpu.vector_store %arg11[%parallel_loop3A_341, %parallel_loop3A_342, %parallel_loop3A_343], %parallel_loop3A_339 {strides = array<i32>} : memref<2x128x128xf32, #tpu.memory_space<vmem>>, vector<16xf32>,
      %parallel_loop3A_345 = arith.constant 0 : i32
      %parallel_loop3A_346 = arith.index_cast %parallel_loop3A_345 : i32 to index
      %parallel_loop3A_347 = arith.index_cast %parallel_loop3A_289 : i32 to index
      %parallel_loop3A_348 = arith.constant 64 : index
      %parallel_loop3A_349 = tpu.vector_load %arg10[%parallel_loop3A_346, %parallel_loop3A_347, %parallel_loop3A_348] {strides = array<i32>} : memref<2x128x128xf32, #tpu.memory_space<vmem>>, vector<16xf32>,
      %parallel_loop3A_350 = arith.mulf %parallel_loop3A_349, %parallel_loop3A_295 : vector<16xf32>
      %parallel_loop3A_351 = arith.addf %parallel_loop3A_350, %parallel_loop3A_296 : vector<16xf32>
      %parallel_loop3A_352 = arith.constant 0 : i32
      %parallel_loop3A_353 = arith.index_cast %parallel_loop3A_352 : i32 to index
      %parallel_loop3A_354 = arith.index_cast %parallel_loop3A_289 : i32 to index
      %parallel_loop3A_355 = arith.constant 64 : index
      %parallel_loop3A_356 = tpu.vector_load %arg11[%parallel_loop3A_353, %parallel_loop3A_354, %parallel_loop3A_355] {strides = array<i32>} : memref<2x128x128xf32, #tpu.memory_space<vmem>>, vector<16xf32>,
      tpu.vector_store %arg11[%parallel_loop3A_353, %parallel_loop3A_354, %parallel_loop3A_355], %parallel_loop3A_351 {strides = array<i32>} : memref<2x128x128xf32, #tpu.memory_space<vmem>>, vector<16xf32>,
      %parallel_loop3A_357 = arith.constant 0 : i32
      %parallel_loop3A_358 = arith.index_cast %parallel_loop3A_357 : i32 to index
      %parallel_loop3A_359 = arith.index_cast %parallel_loop3A_289 : i32 to index
      %parallel_loop3A_360 = arith.constant 80 : index
      %parallel_loop3A_361 = tpu.vector_load %arg10[%parallel_loop3A_358, %parallel_loop3A_359, %parallel_loop3A_360] {strides = array<i32>} : memref<2x128x128xf32, #tpu.memory_space<vmem>>, vector<16xf32>,
      %parallel_loop3A_362 = arith.mulf %parallel_loop3A_361, %parallel_loop3A_295 : vector<16xf32>
      %parallel_loop3A_363 = arith.addf %parallel_loop3A_362, %parallel_loop3A_296 : vector<16xf32>
      %parallel_loop3A_364 = arith.constant 0 : i32
      %parallel_loop3A_365 = arith.index_cast %parallel_loop3A_364 : i32 to index
      %parallel_loop3A_366 = arith.index_cast %parallel_loop3A_289 : i32 to index
      %parallel_loop3A_367 = arith.constant 80 : index
      %parallel_loop3A_368 = tpu.vector_load %arg11[%parallel_loop3A_365, %parallel_loop3A_366, %parallel_loop3A_367] {strides = array<i32>} : memref<2x128x128xf32, #tpu.memory_space<vmem>>, vector<16xf32>,
      tpu.vector_store %arg11[%parallel_loop3A_365, %parallel_loop3A_366, %parallel_loop3A_367], %parallel_loop3A_363 {strides = array<i32>} : memref<2x128x128xf32, #tpu.memory_space<vmem>>, vector<16xf32>,
      %parallel_loop3A_369 = arith.constant 0 : i32
      %parallel_loop3A_370 = arith.index_cast %parallel_loop3A_369 : i32 to index
      %parallel_loop3A_371 = arith.index_cast %parallel_loop3A_289 : i32 to index
      %parallel_loop3A_372 = arith.constant 96 : index
      %parallel_loop3A_373 = tpu.vector_load %arg10[%parallel_loop3A_370, %parallel_loop3A_371, %parallel_loop3A_372] {strides = array<i32>} : memref<2x128x128xf32, #tpu.memory_space<vmem>>, vector<16xf32>,
      %parallel_loop3A_374 = arith.mulf %parallel_loop3A_373, %parallel_loop3A_295 : vector<16xf32>
      %parallel_loop3A_375 = arith.addf %parallel_loop3A_374, %parallel_loop3A_296 : vector<16xf32>
      %parallel_loop3A_376 = arith.constant 0 : i32
      %parallel_loop3A_377 = arith.index_cast %parallel_loop3A_376 : i32 to index
      %parallel_loop3A_378 = arith.index_cast %parallel_loop3A_289 : i32 to index
      %parallel_loop3A_379 = arith.constant 96 : index
      %parallel_loop3A_380 = tpu.vector_load %arg11[%parallel_loop3A_377, %parallel_loop3A_378, %parallel_loop3A_379] {strides = array<i32>} : memref<2x128x128xf32, #tpu.memory_space<vmem>>, vector<16xf32>,
      tpu.vector_store %arg11[%parallel_loop3A_377, %parallel_loop3A_378, %parallel_loop3A_379], %parallel_loop3A_375 {strides = array<i32>} : memref<2x128x128xf32, #tpu.memory_space<vmem>>, vector<16xf32>,
      %parallel_loop3A_381 = arith.constant 0 : i32
      %parallel_loop3A_382 = arith.index_cast %parallel_loop3A_381 : i32 to index
      %parallel_loop3A_383 = arith.index_cast %parallel_loop3A_289 : i32 to index
      %parallel_loop3A_384 = arith.constant 112 : index
      %parallel_loop3A_385 = tpu.vector_load %arg10[%parallel_loop3A_382, %parallel_loop3A_383, %parallel_loop3A_384] {strides = array<i32>} : memref<2x128x128xf32, #tpu.memory_space<vmem>>, vector<16xf32>,
      %parallel_loop3A_386 = arith.mulf %parallel_loop3A_385, %parallel_loop3A_295 : vector<16xf32>
      %parallel_loop3A_387 = arith.addf %parallel_loop3A_386, %parallel_loop3A_296 : vector<16xf32>
      %parallel_loop3A_388 = arith.constant 0 : i32
      %parallel_loop3A_389 = arith.index_cast %parallel_loop3A_388 : i32 to index
      %parallel_loop3A_390 = arith.index_cast %parallel_loop3A_289 : i32 to index
      %parallel_loop3A_391 = arith.constant 112 : index
      %parallel_loop3A_392 = tpu.vector_load %arg11[%parallel_loop3A_389, %parallel_loop3A_390, %parallel_loop3A_391] {strides = array<i32>} : memref<2x128x128xf32, #tpu.memory_space<vmem>>, vector<16xf32>,
      tpu.vector_store %arg11[%parallel_loop3A_389, %parallel_loop3A_390, %parallel_loop3A_391], %parallel_loop3A_387 {strides = array<i32>} : memref<2x128x128xf32, #tpu.memory_space<vmem>>, vector<16xf32>,
    } {sc.loop_unroll_factor = 4 : i64, sc.parallel_access}
    %add3A_184 = arith.constant 256 : i32
    %add3A_185 = arith.addi %mul3A_2, %add3A_184 : i32
    %dma_start3A_186 = arith.constant 0 : i32
    %dma_start3A_187 = arith.constant 0 : i32
    %dma_start3A_188 = arith.constant 0 : i32
    %dma_start3A_189 = arith.constant 0 : i32
    %dma_start3A_190 = tpu.memref_slice %arg11[%dma_start3A_186, %dma_start3A_188, %dma_start3A_189] : memref<2x128x128xf32, #tpu.memory_space<vmem>> -> memref<1x128x128xf32, #tpu.memory_space<vmem>>
    %dma_start3A_191 = tpu.memref_squeeze %dma_start3A_190 : memref<1x128x128xf32, #tpu.memory_space<vmem>> -> memref<128x128xf32, #tpu.memory_space<vmem>>
    %dma_start3A_192 = arith.constant 0 : i32
    %dma_start3A_193 = tpu.memref_slice %arg6[%add3A_185, %dma_start3A_192] : memref<16384x128xf32, #tpu.memory_space<hbm>> -> memref<128x128xf32, #tpu.memory_space<hbm>>
    %dma_start3A_194 = tpu.memref_slice %arg13[%dma_start3A_187] : memref<2x!tpu.dma_semaphore, #tpu.memory_space<semaphore_mem>> -> memref<1x!tpu.dma_semaphore, #tpu.memory_space<semaphore_mem>>
    %dma_start3A_195 = tpu.memref_squeeze %dma_start3A_194 : memref<1x!tpu.dma_semaphore, #tpu.memory_space<semaphore_mem>> -> memref<!tpu.dma_semaphore, #tpu.memory_space<semaphore_mem>>
    %dma_start3A_196 = arith.constant 0 : i32
    %dma_start3A_197 = tpu.memref_slice %arg6[%add3A_185, %dma_start3A_196] : memref<16384x128xf32, #tpu.memory_space<hbm>> -> memref<128x128xf32, #tpu.memory_space<hbm>>
    %dma_start3A_198 = arith.constant 0 : i32
    %dma_start3A_199 = arith.constant 0 : i32
    %dma_start3A_200 = tpu.memref_slice %arg11[%dma_start3A_186, %dma_start3A_198, %dma_start3A_199] : memref<2x128x128xf32, #tpu.memory_space<vmem>> -> memref<1x128x128xf32, #tpu.memory_space<vmem>>
    %dma_start3A_201 = tpu.memref_squeeze %dma_start3A_200 : memref<1x128x128xf32, #tpu.memory_space<vmem>> -> memref<128x128xf32, #tpu.memory_space<vmem>>
    tpu.enqueue_dma source(%dma_start3A_201 : memref<128x128xf32, #tpu.memory_space<vmem>>) target(%dma_start3A_197 : memref<128x128xf32, #tpu.memory_space<hbm>>) target_semaphore(%dma_start3A_195 : memref<!tpu.dma_semaphore, #tpu.memory_space<semaphore_mem>>)
    %dma_wait3A_202 = arith.constant 1 : i32
    %dma_wait3A_203 = arith.constant 1 : i32
    %dma_wait3A_204 = arith.constant 0 : i32
    %dma_wait3A_205 = arith.constant 0 : i32
    %dma_wait3A_206 = tpu.memref_slice %arg10[%dma_wait3A_202, %dma_wait3A_204, %dma_wait3A_205] : memref<2x128x128xf32, #tpu.memory_space<vmem>> -> memref<1x128x128xf32, #tpu.memory_space<vmem>>
    %dma_wait3A_207 = tpu.memref_squeeze %dma_wait3A_206 : memref<1x128x128xf32, #tpu.memory_space<vmem>> -> memref<128x128xf32, #tpu.memory_space<vmem>>
    %dma_wait3A_208 = arith.constant 0 : i32
    %dma_wait3A_209 = tpu.memref_slice %arg2[%add3A_130, %dma_wait3A_208] : memref<16384x128xf32, #tpu.memory_space<hbm>> -> memref<128x128xf32, #tpu.memory_space<hbm>>
    %dma_wait3A_210 = tpu.memref_slice %arg12[%dma_wait3A_203] : memref<2x!tpu.dma_semaphore, #tpu.memory_space<semaphore_mem>> -> memref<1x!tpu.dma_semaphore, #tpu.memory_space<semaphore_mem>>
    %dma_wait3A_211 = tpu.memref_squeeze %dma_wait3A_210 : memref<1x!tpu.dma_semaphore, #tpu.memory_space<semaphore_mem>> -> memref<!tpu.dma_semaphore, #tpu.memory_space<semaphore_mem>>
    %dma_wait3A_212 = arith.constant 0 : i32
    %dma_wait3A_213 = arith.constant 0 : i32
    %dma_wait3A_214 = tpu.memref_slice %arg10[%dma_wait3A_202, %dma_wait3A_212, %dma_wait3A_213] : memref<2x128x128xf32, #tpu.memory_space<vmem>> -> memref<1x128x128xf32, #tpu.memory_space<vmem>>
    %dma_wait3A_215 = tpu.memref_squeeze %dma_wait3A_214 : memref<1x128x128xf32, #tpu.memory_space<vmem>> -> memref<128x128xf32, #tpu.memory_space<vmem>>
    %dma_wait3A_216 = arith.constant 0 : i32
    %dma_wait3A_217 = tpu.memref_slice %arg2[%add3A_130, %dma_wait3A_216] : memref<16384x128xf32, #tpu.memory_space<hbm>> -> memref<128x128xf32, #tpu.memory_space<hbm>>
    tpu.wait_dma2 semaphore(%dma_wait3A_211 : memref<!tpu.dma_semaphore, #tpu.memory_space<semaphore_mem>>) src(%dma_wait3A_217 : memref<128x128xf32, #tpu.memory_space<hbm>>) dst(%dma_wait3A_215 : memref<128x128xf32, #tpu.memory_space<vmem>>)
    %dma_wait3A_218 = arith.constant 1 : i32
    %dma_wait3A_219 = arith.constant 1 : i32
    %dma_wait3A_220 = arith.constant 0 : i32
    %dma_wait3A_221 = arith.constant 0 : i32
    %dma_wait3A_222 = tpu.memref_slice %arg11[%dma_wait3A_218, %dma_wait3A_220, %dma_wait3A_221] : memref<2x128x128xf32, #tpu.memory_space<vmem>> -> memref<1x128x128xf32, #tpu.memory_space<vmem>>
    %dma_wait3A_223 = tpu.memref_squeeze %dma_wait3A_222 : memref<1x128x128xf32, #tpu.memory_space<vmem>> -> memref<128x128xf32, #tpu.memory_space<vmem>>
    %dma_wait3A_224 = arith.constant 0 : i32
    %dma_wait3A_225 = tpu.memref_slice %arg6[%add3A_112, %dma_wait3A_224] : memref<16384x128xf32, #tpu.memory_space<hbm>> -> memref<128x128xf32, #tpu.memory_space<hbm>>
    %dma_wait3A_226 = tpu.memref_slice %arg13[%dma_wait3A_219] : memref<2x!tpu.dma_semaphore, #tpu.memory_space<semaphore_mem>> -> memref<1x!tpu.dma_semaphore, #tpu.memory_space<semaphore_mem>>
    %dma_wait3A_227 = tpu.memref_squeeze %dma_wait3A_226 : memref<1x!tpu.dma_semaphore, #tpu.memory_space<semaphore_mem>> -> memref<!tpu.dma_semaphore, #tpu.memory_space<semaphore_mem>>
    %dma_wait3A_228 = arith.constant 0 : i32
    %dma_wait3A_229 = tpu.memref_slice %arg6[%add3A_112, %dma_wait3A_228] : memref<16384x128xf32, #tpu.memory_space<hbm>> -> memref<128x128xf32, #tpu.memory_space<hbm>>
    %dma_wait3A_230 = arith.constant 0 : i32
    %dma_wait3A_231 = arith.constant 0 : i32
    %dma_wait3A_232 = tpu.memref_slice %arg11[%dma_wait3A_218, %dma_wait3A_230, %dma_wait3A_231] : memref<2x128x128xf32, #tpu.memory_space<vmem>> -> memref<1x128x128xf32, #tpu.memory_space<vmem>>
    %dma_wait3A_233 = tpu.memref_squeeze %dma_wait3A_232 : memref<1x128x128xf32, #tpu.memory_space<vmem>> -> memref<128x128xf32, #tpu.memory_space<vmem>>
    tpu.wait_dma2 semaphore(%dma_wait3A_227 : memref<!tpu.dma_semaphore, #tpu.memory_space<semaphore_mem>>) src(%dma_wait3A_233 : memref<128x128xf32, #tpu.memory_space<vmem>>) dst(%dma_wait3A_229 : memref<128x128xf32, #tpu.memory_space<hbm>>)
    %broadcast_in_dim3A_234 = arith.constant 0 : i32
    %broadcast_in_dim3A_235 = vector.broadcast %broadcast_in_dim3A_234 : i32 to vector<16xi32>
    %parallel_loop3A_236 = arith.constant 0 : i32
    %parallel_loop3A_237 = arith.constant 128 : i32
    %parallel_loop3A_238 = arith.constant 1 : i32
    scf.for %parallel_loop3A_289 = %parallel_loop3A_236 to %parallel_loop3A_237 step %parallel_loop3A_238  : i32 {
      %parallel_loop3A_290 = arith.constant 384 : i32
      %parallel_loop3A_291 = arith.addi %parallel_loop3A_290, %parallel_loop3A_289 : i32
      %parallel_loop3A_292 = vector.broadcast %parallel_loop3A_291 : i32 to vector<16xi32>
      %parallel_loop3A_293 = arith.addi %broadcast_in_dim3A_235, %parallel_loop3A_292 : vector<16xi32>
      %parallel_loop3A_294 = tpu.vector_load_idx %arg7[%parallel_loop3A_293] : memref<512xi32, #tpu.memory_space<vmem>>[vector<16xi32>], vector<16xi32>,
      %parallel_loop3A_295 = tpu.vector_load_idx %arg9[%parallel_loop3A_294] : memref<16xf32, #tpu.memory_space<vmem>>[vector<16xi32>], vector<16xf32>,
      %parallel_loop3A_296 = tpu.vector_load_idx %arg8[%parallel_loop3A_294] : memref<16xf32, #tpu.memory_space<vmem>>[vector<16xi32>], vector<16xf32>,
      %parallel_loop3A_297 = arith.constant 1 : i32
      %parallel_loop3A_298 = arith.index_cast %parallel_loop3A_297 : i32 to index
      %parallel_loop3A_299 = arith.index_cast %parallel_loop3A_289 : i32 to index
      %parallel_loop3A_300 = arith.constant 0 : index
      %parallel_loop3A_301 = tpu.vector_load %arg10[%parallel_loop3A_298, %parallel_loop3A_299, %parallel_loop3A_300] {strides = array<i32>} : memref<2x128x128xf32, #tpu.memory_space<vmem>>, vector<16xf32>,
      %parallel_loop3A_302 = arith.mulf %parallel_loop3A_301, %parallel_loop3A_295 : vector<16xf32>
      %parallel_loop3A_303 = arith.addf %parallel_loop3A_302, %parallel_loop3A_296 : vector<16xf32>
      %parallel_loop3A_304 = arith.constant 1 : i32
      %parallel_loop3A_305 = arith.index_cast %parallel_loop3A_304 : i32 to index
      %parallel_loop3A_306 = arith.index_cast %parallel_loop3A_289 : i32 to index
      %parallel_loop3A_307 = arith.constant 0 : index
      %parallel_loop3A_308 = tpu.vector_load %arg11[%parallel_loop3A_305, %parallel_loop3A_306, %parallel_loop3A_307] {strides = array<i32>} : memref<2x128x128xf32, #tpu.memory_space<vmem>>, vector<16xf32>,
      tpu.vector_store %arg11[%parallel_loop3A_305, %parallel_loop3A_306, %parallel_loop3A_307], %parallel_loop3A_303 {strides = array<i32>} : memref<2x128x128xf32, #tpu.memory_space<vmem>>, vector<16xf32>,
      %parallel_loop3A_309 = arith.constant 1 : i32
      %parallel_loop3A_310 = arith.index_cast %parallel_loop3A_309 : i32 to index
      %parallel_loop3A_311 = arith.index_cast %parallel_loop3A_289 : i32 to index
      %parallel_loop3A_312 = arith.constant 16 : index
      %parallel_loop3A_313 = tpu.vector_load %arg10[%parallel_loop3A_310, %parallel_loop3A_311, %parallel_loop3A_312] {strides = array<i32>} : memref<2x128x128xf32, #tpu.memory_space<vmem>>, vector<16xf32>,
      %parallel_loop3A_314 = arith.mulf %parallel_loop3A_313, %parallel_loop3A_295 : vector<16xf32>
      %parallel_loop3A_315 = arith.addf %parallel_loop3A_314, %parallel_loop3A_296 : vector<16xf32>
      %parallel_loop3A_316 = arith.constant 1 : i32
      %parallel_loop3A_317 = arith.index_cast %parallel_loop3A_316 : i32 to index
      %parallel_loop3A_318 = arith.index_cast %parallel_loop3A_289 : i32 to index
      %parallel_loop3A_319 = arith.constant 16 : index
      %parallel_loop3A_320 = tpu.vector_load %arg11[%parallel_loop3A_317, %parallel_loop3A_318, %parallel_loop3A_319] {strides = array<i32>} : memref<2x128x128xf32, #tpu.memory_space<vmem>>, vector<16xf32>,
      tpu.vector_store %arg11[%parallel_loop3A_317, %parallel_loop3A_318, %parallel_loop3A_319], %parallel_loop3A_315 {strides = array<i32>} : memref<2x128x128xf32, #tpu.memory_space<vmem>>, vector<16xf32>,
      %parallel_loop3A_321 = arith.constant 1 : i32
      %parallel_loop3A_322 = arith.index_cast %parallel_loop3A_321 : i32 to index
      %parallel_loop3A_323 = arith.index_cast %parallel_loop3A_289 : i32 to index
      %parallel_loop3A_324 = arith.constant 32 : index
      %parallel_loop3A_325 = tpu.vector_load %arg10[%parallel_loop3A_322, %parallel_loop3A_323, %parallel_loop3A_324] {strides = array<i32>} : memref<2x128x128xf32, #tpu.memory_space<vmem>>, vector<16xf32>,
      %parallel_loop3A_326 = arith.mulf %parallel_loop3A_325, %parallel_loop3A_295 : vector<16xf32>
      %parallel_loop3A_327 = arith.addf %parallel_loop3A_326, %parallel_loop3A_296 : vector<16xf32>
      %parallel_loop3A_328 = arith.constant 1 : i32
      %parallel_loop3A_329 = arith.index_cast %parallel_loop3A_328 : i32 to index
      %parallel_loop3A_330 = arith.index_cast %parallel_loop3A_289 : i32 to index
      %parallel_loop3A_331 = arith.constant 32 : index
      %parallel_loop3A_332 = tpu.vector_load %arg11[%parallel_loop3A_329, %parallel_loop3A_330, %parallel_loop3A_331] {strides = array<i32>} : memref<2x128x128xf32, #tpu.memory_space<vmem>>, vector<16xf32>,
      tpu.vector_store %arg11[%parallel_loop3A_329, %parallel_loop3A_330, %parallel_loop3A_331], %parallel_loop3A_327 {strides = array<i32>} : memref<2x128x128xf32, #tpu.memory_space<vmem>>, vector<16xf32>,
      %parallel_loop3A_333 = arith.constant 1 : i32
      %parallel_loop3A_334 = arith.index_cast %parallel_loop3A_333 : i32 to index
      %parallel_loop3A_335 = arith.index_cast %parallel_loop3A_289 : i32 to index
      %parallel_loop3A_336 = arith.constant 48 : index
      %parallel_loop3A_337 = tpu.vector_load %arg10[%parallel_loop3A_334, %parallel_loop3A_335, %parallel_loop3A_336] {strides = array<i32>} : memref<2x128x128xf32, #tpu.memory_space<vmem>>, vector<16xf32>,
      %parallel_loop3A_338 = arith.mulf %parallel_loop3A_337, %parallel_loop3A_295 : vector<16xf32>
      %parallel_loop3A_339 = arith.addf %parallel_loop3A_338, %parallel_loop3A_296 : vector<16xf32>
      %parallel_loop3A_340 = arith.constant 1 : i32
      %parallel_loop3A_341 = arith.index_cast %parallel_loop3A_340 : i32 to index
      %parallel_loop3A_342 = arith.index_cast %parallel_loop3A_289 : i32 to index
      %parallel_loop3A_343 = arith.constant 48 : index
      %parallel_loop3A_344 = tpu.vector_load %arg11[%parallel_loop3A_341, %parallel_loop3A_342, %parallel_loop3A_343] {strides = array<i32>} : memref<2x128x128xf32, #tpu.memory_space<vmem>>, vector<16xf32>,
      tpu.vector_store %arg11[%parallel_loop3A_341, %parallel_loop3A_342, %parallel_loop3A_343], %parallel_loop3A_339 {strides = array<i32>} : memref<2x128x128xf32, #tpu.memory_space<vmem>>, vector<16xf32>,
      %parallel_loop3A_345 = arith.constant 1 : i32
      %parallel_loop3A_346 = arith.index_cast %parallel_loop3A_345 : i32 to index
      %parallel_loop3A_347 = arith.index_cast %parallel_loop3A_289 : i32 to index
      %parallel_loop3A_348 = arith.constant 64 : index
      %parallel_loop3A_349 = tpu.vector_load %arg10[%parallel_loop3A_346, %parallel_loop3A_347, %parallel_loop3A_348] {strides = array<i32>} : memref<2x128x128xf32, #tpu.memory_space<vmem>>, vector<16xf32>,
      %parallel_loop3A_350 = arith.mulf %parallel_loop3A_349, %parallel_loop3A_295 : vector<16xf32>
      %parallel_loop3A_351 = arith.addf %parallel_loop3A_350, %parallel_loop3A_296 : vector<16xf32>
      %parallel_loop3A_352 = arith.constant 1 : i32
      %parallel_loop3A_353 = arith.index_cast %parallel_loop3A_352 : i32 to index
      %parallel_loop3A_354 = arith.index_cast %parallel_loop3A_289 : i32 to index
      %parallel_loop3A_355 = arith.constant 64 : index
      %parallel_loop3A_356 = tpu.vector_load %arg11[%parallel_loop3A_353, %parallel_loop3A_354, %parallel_loop3A_355] {strides = array<i32>} : memref<2x128x128xf32, #tpu.memory_space<vmem>>, vector<16xf32>,
      tpu.vector_store %arg11[%parallel_loop3A_353, %parallel_loop3A_354, %parallel_loop3A_355], %parallel_loop3A_351 {strides = array<i32>} : memref<2x128x128xf32, #tpu.memory_space<vmem>>, vector<16xf32>,
      %parallel_loop3A_357 = arith.constant 1 : i32
      %parallel_loop3A_358 = arith.index_cast %parallel_loop3A_357 : i32 to index
      %parallel_loop3A_359 = arith.index_cast %parallel_loop3A_289 : i32 to index
      %parallel_loop3A_360 = arith.constant 80 : index
      %parallel_loop3A_361 = tpu.vector_load %arg10[%parallel_loop3A_358, %parallel_loop3A_359, %parallel_loop3A_360] {strides = array<i32>} : memref<2x128x128xf32, #tpu.memory_space<vmem>>, vector<16xf32>,
      %parallel_loop3A_362 = arith.mulf %parallel_loop3A_361, %parallel_loop3A_295 : vector<16xf32>
      %parallel_loop3A_363 = arith.addf %parallel_loop3A_362, %parallel_loop3A_296 : vector<16xf32>
      %parallel_loop3A_364 = arith.constant 1 : i32
      %parallel_loop3A_365 = arith.index_cast %parallel_loop3A_364 : i32 to index
      %parallel_loop3A_366 = arith.index_cast %parallel_loop3A_289 : i32 to index
      %parallel_loop3A_367 = arith.constant 80 : index
      %parallel_loop3A_368 = tpu.vector_load %arg11[%parallel_loop3A_365, %parallel_loop3A_366, %parallel_loop3A_367] {strides = array<i32>} : memref<2x128x128xf32, #tpu.memory_space<vmem>>, vector<16xf32>,
      tpu.vector_store %arg11[%parallel_loop3A_365, %parallel_loop3A_366, %parallel_loop3A_367], %parallel_loop3A_363 {strides = array<i32>} : memref<2x128x128xf32, #tpu.memory_space<vmem>>, vector<16xf32>,
      %parallel_loop3A_369 = arith.constant 1 : i32
      %parallel_loop3A_370 = arith.index_cast %parallel_loop3A_369 : i32 to index
      %parallel_loop3A_371 = arith.index_cast %parallel_loop3A_289 : i32 to index
      %parallel_loop3A_372 = arith.constant 96 : index
      %parallel_loop3A_373 = tpu.vector_load %arg10[%parallel_loop3A_370, %parallel_loop3A_371, %parallel_loop3A_372] {strides = array<i32>} : memref<2x128x128xf32, #tpu.memory_space<vmem>>, vector<16xf32>,
      %parallel_loop3A_374 = arith.mulf %parallel_loop3A_373, %parallel_loop3A_295 : vector<16xf32>
      %parallel_loop3A_375 = arith.addf %parallel_loop3A_374, %parallel_loop3A_296 : vector<16xf32>
      %parallel_loop3A_376 = arith.constant 1 : i32
      %parallel_loop3A_377 = arith.index_cast %parallel_loop3A_376 : i32 to index
      %parallel_loop3A_378 = arith.index_cast %parallel_loop3A_289 : i32 to index
      %parallel_loop3A_379 = arith.constant 96 : index
      %parallel_loop3A_380 = tpu.vector_load %arg11[%parallel_loop3A_377, %parallel_loop3A_378, %parallel_loop3A_379] {strides = array<i32>} : memref<2x128x128xf32, #tpu.memory_space<vmem>>, vector<16xf32>,
      tpu.vector_store %arg11[%parallel_loop3A_377, %parallel_loop3A_378, %parallel_loop3A_379], %parallel_loop3A_375 {strides = array<i32>} : memref<2x128x128xf32, #tpu.memory_space<vmem>>, vector<16xf32>,
      %parallel_loop3A_381 = arith.constant 1 : i32
      %parallel_loop3A_382 = arith.index_cast %parallel_loop3A_381 : i32 to index
      %parallel_loop3A_383 = arith.index_cast %parallel_loop3A_289 : i32 to index
      %parallel_loop3A_384 = arith.constant 112 : index
      %parallel_loop3A_385 = tpu.vector_load %arg10[%parallel_loop3A_382, %parallel_loop3A_383, %parallel_loop3A_384] {strides = array<i32>} : memref<2x128x128xf32, #tpu.memory_space<vmem>>, vector<16xf32>,
      %parallel_loop3A_386 = arith.mulf %parallel_loop3A_385, %parallel_loop3A_295 : vector<16xf32>
      %parallel_loop3A_387 = arith.addf %parallel_loop3A_386, %parallel_loop3A_296 : vector<16xf32>
      %parallel_loop3A_388 = arith.constant 1 : i32
      %parallel_loop3A_389 = arith.index_cast %parallel_loop3A_388 : i32 to index
      %parallel_loop3A_390 = arith.index_cast %parallel_loop3A_289 : i32 to index
      %parallel_loop3A_391 = arith.constant 112 : index
      %parallel_loop3A_392 = tpu.vector_load %arg11[%parallel_loop3A_389, %parallel_loop3A_390, %parallel_loop3A_391] {strides = array<i32>} : memref<2x128x128xf32, #tpu.memory_space<vmem>>, vector<16xf32>,
      tpu.vector_store %arg11[%parallel_loop3A_389, %parallel_loop3A_390, %parallel_loop3A_391], %parallel_loop3A_387 {strides = array<i32>} : memref<2x128x128xf32, #tpu.memory_space<vmem>>, vector<16xf32>,
    } {sc.loop_unroll_factor = 4 : i64, sc.parallel_access}
    %add3A_239 = arith.constant 384 : i32
    %add3A_240 = arith.addi %mul3A_2, %add3A_239 : i32
    %dma_start3A_241 = arith.constant 1 : i32
    %dma_start3A_242 = arith.constant 1 : i32
    %dma_start3A_243 = arith.constant 0 : i32
    %dma_start3A_244 = arith.constant 0 : i32
    %dma_start3A_245 = tpu.memref_slice %arg11[%dma_start3A_241, %dma_start3A_243, %dma_start3A_244] : memref<2x128x128xf32, #tpu.memory_space<vmem>> -> memref<1x128x128xf32, #tpu.memory_space<vmem>>
    %dma_start3A_246 = tpu.memref_squeeze %dma_start3A_245 : memref<1x128x128xf32, #tpu.memory_space<vmem>> -> memref<128x128xf32, #tpu.memory_space<vmem>>
    %dma_start3A_247 = arith.constant 0 : i32
    %dma_start3A_248 = tpu.memref_slice %arg6[%add3A_240, %dma_start3A_247] : memref<16384x128xf32, #tpu.memory_space<hbm>> -> memref<128x128xf32, #tpu.memory_space<hbm>>
    %dma_start3A_249 = tpu.memref_slice %arg13[%dma_start3A_242] : memref<2x!tpu.dma_semaphore, #tpu.memory_space<semaphore_mem>> -> memref<1x!tpu.dma_semaphore, #tpu.memory_space<semaphore_mem>>
    %dma_start3A_250 = tpu.memref_squeeze %dma_start3A_249 : memref<1x!tpu.dma_semaphore, #tpu.memory_space<semaphore_mem>> -> memref<!tpu.dma_semaphore, #tpu.memory_space<semaphore_mem>>
    %dma_start3A_251 = arith.constant 0 : i32
    %dma_start3A_252 = tpu.memref_slice %arg6[%add3A_240, %dma_start3A_251] : memref<16384x128xf32, #tpu.memory_space<hbm>> -> memref<128x128xf32, #tpu.memory_space<hbm>>
    %dma_start3A_253 = arith.constant 0 : i32
    %dma_start3A_254 = arith.constant 0 : i32
    %dma_start3A_255 = tpu.memref_slice %arg11[%dma_start3A_241, %dma_start3A_253, %dma_start3A_254] : memref<2x128x128xf32, #tpu.memory_space<vmem>> -> memref<1x128x128xf32, #tpu.memory_space<vmem>>
    %dma_start3A_256 = tpu.memref_squeeze %dma_start3A_255 : memref<1x128x128xf32, #tpu.memory_space<vmem>> -> memref<128x128xf32, #tpu.memory_space<vmem>>
    tpu.enqueue_dma source(%dma_start3A_256 : memref<128x128xf32, #tpu.memory_space<vmem>>) target(%dma_start3A_252 : memref<128x128xf32, #tpu.memory_space<hbm>>) target_semaphore(%dma_start3A_250 : memref<!tpu.dma_semaphore, #tpu.memory_space<semaphore_mem>>)
    %dma_wait3A_257 = arith.constant 0 : i32
    %dma_wait3A_258 = arith.constant 0 : i32
    %dma_wait3A_259 = arith.constant 0 : i32
    %dma_wait3A_260 = arith.constant 0 : i32
    %dma_wait3A_261 = tpu.memref_slice %arg11[%dma_wait3A_257, %dma_wait3A_259, %dma_wait3A_260] : memref<2x128x128xf32, #tpu.memory_space<vmem>> -> memref<1x128x128xf32, #tpu.memory_space<vmem>>
    %dma_wait3A_262 = tpu.memref_squeeze %dma_wait3A_261 : memref<1x128x128xf32, #tpu.memory_space<vmem>> -> memref<128x128xf32, #tpu.memory_space<vmem>>
    %dma_wait3A_263 = arith.constant 0 : i32
    %dma_wait3A_264 = tpu.memref_slice %arg6[%add3A_185, %dma_wait3A_263] : memref<16384x128xf32, #tpu.memory_space<hbm>> -> memref<128x128xf32, #tpu.memory_space<hbm>>
    %dma_wait3A_265 = tpu.memref_slice %arg13[%dma_wait3A_258] : memref<2x!tpu.dma_semaphore, #tpu.memory_space<semaphore_mem>> -> memref<1x!tpu.dma_semaphore, #tpu.memory_space<semaphore_mem>>
    %dma_wait3A_266 = tpu.memref_squeeze %dma_wait3A_265 : memref<1x!tpu.dma_semaphore, #tpu.memory_space<semaphore_mem>> -> memref<!tpu.dma_semaphore, #tpu.memory_space<semaphore_mem>>
    %dma_wait3A_267 = arith.constant 0 : i32
    %dma_wait3A_268 = tpu.memref_slice %arg6[%add3A_185, %dma_wait3A_267] : memref<16384x128xf32, #tpu.memory_space<hbm>> -> memref<128x128xf32, #tpu.memory_space<hbm>>
    %dma_wait3A_269 = arith.constant 0 : i32
    %dma_wait3A_270 = arith.constant 0 : i32
    %dma_wait3A_271 = tpu.memref_slice %arg11[%dma_wait3A_257, %dma_wait3A_269, %dma_wait3A_270] : memref<2x128x128xf32, #tpu.memory_space<vmem>> -> memref<1x128x128xf32, #tpu.memory_space<vmem>>
    %dma_wait3A_272 = tpu.memref_squeeze %dma_wait3A_271 : memref<1x128x128xf32, #tpu.memory_space<vmem>> -> memref<128x128xf32, #tpu.memory_space<vmem>>
    tpu.wait_dma2 semaphore(%dma_wait3A_266 : memref<!tpu.dma_semaphore, #tpu.memory_space<semaphore_mem>>) src(%dma_wait3A_272 : memref<128x128xf32, #tpu.memory_space<vmem>>) dst(%dma_wait3A_268 : memref<128x128xf32, #tpu.memory_space<hbm>>)
    %dma_wait3A_273 = arith.constant 1 : i32
    %dma_wait3A_274 = arith.constant 1 : i32
    %dma_wait3A_275 = arith.constant 0 : i32
    %dma_wait3A_276 = arith.constant 0 : i32
    %dma_wait3A_277 = tpu.memref_slice %arg11[%dma_wait3A_273, %dma_wait3A_275, %dma_wait3A_276] : memref<2x128x128xf32, #tpu.memory_space<vmem>> -> memref<1x128x128xf32, #tpu.memory_space<vmem>>
    %dma_wait3A_278 = tpu.memref_squeeze %dma_wait3A_277 : memref<1x128x128xf32, #tpu.memory_space<vmem>> -> memref<128x128xf32, #tpu.memory_space<vmem>>
    %dma_wait3A_279 = arith.constant 0 : i32
    %dma_wait3A_280 = tpu.memref_slice %arg6[%add3A_240, %dma_wait3A_279] : memref<16384x128xf32, #tpu.memory_space<hbm>> -> memref<128x128xf32, #tpu.memory_space<hbm>>
    %dma_wait3A_281 = tpu.memref_slice %arg13[%dma_wait3A_274] : memref<2x!tpu.dma_semaphore, #tpu.memory_space<semaphore_mem>> -> memref<1x!tpu.dma_semaphore, #tpu.memory_space<semaphore_mem>>
    %dma_wait3A_282 = tpu.memref_squeeze %dma_wait3A_281 : memref<1x!tpu.dma_semaphore, #tpu.memory_space<semaphore_mem>> -> memref<!tpu.dma_semaphore, #tpu.memory_space<semaphore_mem>>
    %dma_wait3A_283 = arith.constant 0 : i32
    %dma_wait3A_284 = tpu.memref_slice %arg6[%add3A_240, %dma_wait3A_283] : memref<16384x128xf32, #tpu.memory_space<hbm>> -> memref<128x128xf32, #tpu.memory_space<hbm>>
    %dma_wait3A_285 = arith.constant 0 : i32
    %dma_wait3A_286 = arith.constant 0 : i32
    %dma_wait3A_287 = tpu.memref_slice %arg11[%dma_wait3A_273, %dma_wait3A_285, %dma_wait3A_286] : memref<2x128x128xf32, #tpu.memory_space<vmem>> -> memref<1x128x128xf32, #tpu.memory_space<vmem>>
    %dma_wait3A_288 = tpu.memref_squeeze %dma_wait3A_287 : memref<1x128x128xf32, #tpu.memory_space<vmem>> -> memref<128x128xf32, #tpu.memory_space<vmem>>
    tpu.wait_dma2 semaphore(%dma_wait3A_282 : memref<!tpu.dma_semaphore, #tpu.memory_space<semaphore_mem>>) src(%dma_wait3A_288 : memref<128x128xf32, #tpu.memory_space<vmem>>) dst(%dma_wait3A_284 : memref<128x128xf32, #tpu.memory_space<hbm>>)
    return
  }
}

</mosaic_0001>

<sc_bundles>
// kernel: kernel.3.cloned.1.call-start
scs
__scs_entry_jumppad:
0x0: {  	(pc) =	sbr.rel $0x88, $3  }
0x1: {  	(tag) =	ssettag $0x0;
	lr =	simm.s32 $0x1  }
0x2: {  	[smem:$0x3F9D] =	sst lr;
	_ =	strace $0xD0000000  }
0x3: {  	_ = 	snop  }
0x4: {  	_ = 	snop  }
0x5: {  	_ = 	snop  }
0x6: {  	_ = 	snop  }
0x7: {  	_ = 	snop  }
__scs_overlays_trampoline_lowered:
0x8: {  	[smem:$0x3FAC] =	sst s0  }
0x9: {  	[smem:$0x3FAD] =	sst s1  }
0xa: {  	[smem:$0x3FAE] =	sst s2  }
0xb: {  	[smem:$0x3FAF] =	sst s3  }
0xc: {  	[smem:$0x3FB0] =	sst s4  }
0xd: {  	[smem:$0x3FB1] =	sst s5  }
0xe: {  	[smem:$0x3FB2] =	sst s6  }
0xf: {  	[smem:$0x3FB3] =	sst s7  }
0x10: {  	[smem:$0x3FB4] =	sst s8  }
0x11: {  	[smem:$0x3FB5] =	sst s9;
	s0 =	simm.s32 @!p0 $0x0  }
0x12: {  	s1 =	sld [smem:$0x3F9B];
	s0 =	simm.s32 @p0 $0x1  }
0x13: {  	[smem:$0x3FB6] =	sst s0;
	s0 =	simm.s32 @!p1 $0x0  }
0x14: {  	s2 =	sld [smem:$0x3F9A];
	s0 =	simm.s32 @p1 $0x1  }
0x15: {  	[smem:$0x3FB7] =	sst s0;
	s0 =	simm.s32 @!p2 $0x0  }
0x16: {  	s3 =	sld [smem:$0x3FDB];
	s0 =	simm.s32 @p2 $0x1  }
0x17: {  	s4 =	simm.s32 $0x1BF5;
	[smem:$0x3FB9] =	sst s0  }
0x18: {  	s0 =	sld [smem:$0x3F9C];
	_ =	swait.ge [sflag:s4], $0x0  }
0x19: {  	s7 =	sld [smem:$0x3F9D]  }
0x1a: {  	s8 =	sadd.s32 $0xFFFFE003, lr  }
0x1b: {  	s9 =	sadd.s32 $0xFFFFFEF7, lr;
	s5 =	simm.s32 $0xFFFFFFFF;
	p2 =	slt.u32 s8, $0xFFFFF086  }
0x1c: {  	p1 =	slt.u32 s9, $0xF7A;
	s5 =	simm.s32 @!p2 $0x0  }
0x1d: {  	s5 =	simm.s32 @p1 $0x1;
	p0 =	seq.s32 s7, s2  }
0x1e: {  	s7 =	smul.u32 @!p0 $0xF7A, s2;
	p2 =	seq.s32 @!p0 s5, $0x0  }
0x1f: {  	s9 =	smul.u32 $0xF7A, s1;
	s8 =	simm.s32 @!p0 $0x1BF5;
	p2 =	por !p2, p0  }
0x20: {  	[sflag:s8] =	ssyncset.s32 @!p0 $0xFFFFF086;
	s6 =	sadd.s32 @!p0 s3, s7;
	s7 =	simm.s32 @!p0 $0x108  }
0x21: {  	s3 =	sadd.s32 s3, s9;
	s6 =	sadd.s32 @!p0 $0x88, s6;
	s7 =	simm.s32 @p2 $0x1082  }
0x22: {  	[simem:s7], [sflag:s8] =	dma.local @!p0 [hbm:s6], $0xF7A  }
0x23: {  	s9 =	sor.u32 $0xD0000000, s2;
	s6 =	simm.s32 $0x108;
	_ =	swait.ge @!p0 [sflag:s8], $0x0  }
0x24: {  	s3 =	sadd.s32 $0x88, s3;
	s6 =	simm.s32 @!p1 $0x1082;
	[sflag:s4] =	ssyncset.s32 $0xFFFFF086  }
0x25: {  	[simem:s6], [sflag:s4] =	dma.local [hbm:s3], $0xF7A  }
0x26: {  	[smem:$0x3F9D] =	sst s1;
	(tag) =	ssettag s2;
	_ =	strace s9  }
0x27: {  	s1 =	sld [smem:$0x3FAD]  }
0x28: {  	s2 =	sld [smem:$0x3FAE]  }
0x29: {  	s4 =	sld [smem:$0x3FB0]  }
0x2a: {  	p0 =	seq.s32 s5, $0x0;
	s5 =	sld [smem:$0x3FB1]  }
0x2b: {  	s6 =	sld [smem:$0x3FB2]  }
0x2c: {  	s7 =	sld [smem:$0x3FB3]  }
0x2d: {  	s3 =	simm.s32 $0x108;
	s8 =	sld [smem:$0x3FB4]  }
0x2e: {  	s3 =	simm.s32 @!p0 $0x1082;
	s9 =	sld [smem:$0x3FB5]  }
0x2f: {  	lr =	sadd.s32 s0, s3;
	s0 =	sld [smem:$0x3FAC]  }
0x30: {  	s3 =	sld [smem:$0x3FAF]  }
0x31: {  	[smem:$0x3FB8] =	sst s10  }
0x32: {  	s10 =	sld [smem:$0x3FB6];
	_ =	sdelay $0x3  }
0x33: {  	p0 =	seq.s32 s10, $0x1;
	s10 =	sld [smem:$0x3FB8];
	_ =	sdelay $0x3  }
0x34: {  	[smem:$0x3FB8] =	sst s10  }
0x35: {  	s10 =	sld [smem:$0x3FB7];
	_ =	sdelay $0x3  }
0x36: {  	p1 =	seq.s32 s10, $0x1;
	s10 =	sld [smem:$0x3FB8];
	_ =	sdelay $0x3  }
0x37: {  	[smem:$0x3FB8] =	sst s10  }
0x38: {  	s10 =	sld [smem:$0x3FB9]  }
0x39: {  	_ = 	snop;
	(pc) =	sbr.ind lr, $3  }
0x3a: {  	_ = 	snop  }
0x3b: {  	_ = 	snop  }
0x3c: {  	p2 =	seq.s32 s10, $0x1;
	s10 =	sld [smem:$0x3FB8]  }
0x3d: {  	_ =	shalt  }
0x3e: {  	_ =	shalt  }
0x3f: {  	_ =	shalt  }
0x40: {  	_ =	shalt  }
0x41: {  	_ =	shalt  }
0x42: {  	_ =	shalt  }
0x43: {  	_ =	shalt  }
0x44: {  	_ =	shalt  }
0x45: {  	_ =	shalt  }
0x46: {  	_ =	shalt  }
0x47: {  	_ =	shalt  }
0x48: {  	_ =	shalt  }
0x49: {  	_ =	shalt  }
0x4a: {  	_ =	shalt  }
0x4b: {  	_ =	shalt  }
0x4c: {  	_ =	shalt  }
0x4d: {  	_ =	shalt  }
0x4e: {  	_ =	shalt  }
0x4f: {  	_ =	shalt  }
0x50: {  	_ =	shalt  }
0x51: {  	_ =	shalt  }
0x52: {  	_ =	shalt  }
0x53: {  	_ =	shalt  }
0x54: {  	_ =	shalt  }
0x55: {  	_ =	shalt  }
0x56: {  	_ =	shalt  }
0x57: {  	_ =	shalt  }
0x58: {  	_ =	shalt  }
0x59: {  	_ =	shalt  }
0x5a: {  	_ =	shalt  }
0x5b: {  	_ =	shalt  }
0x5c: {  	_ =	shalt  }
0x5d: {  	_ =	shalt  }
0x5e: {  	_ =	shalt  }
0x5f: {  	_ =	shalt  }
0x60: {  	_ =	shalt  }
0x61: {  	_ =	shalt  }
0x62: {  	_ =	shalt  }
0x63: {  	_ =	shalt  }
0x64: {  	_ =	shalt  }
0x65: {  	_ =	shalt  }
0x66: {  	_ =	shalt  }
0x67: {  	_ =	shalt  }
0x68: {  	_ =	shalt  }
0x69: {  	_ =	shalt  }
0x6a: {  	_ =	shalt  }
0x6b: {  	_ =	shalt  }
0x6c: {  	_ =	shalt  }
0x6d: {  	_ =	shalt  }
0x6e: {  	_ =	shalt  }
0x6f: {  	_ =	shalt  }
0x70: {  	_ =	shalt  }
0x71: {  	_ =	shalt  }
0x72: {  	_ =	shalt  }
0x73: {  	_ =	shalt  }
0x74: {  	_ =	shalt  }
0x75: {  	_ =	shalt  }
0x76: {  	_ =	shalt  }
0x77: {  	_ =	shalt  }
0x78: {  	_ =	shalt  }
0x79: {  	_ =	shalt  }
0x7a: {  	_ =	shalt  }
0x7b: {  	_ =	shalt  }
0x7c: {  	_ =	shalt  }
0x7d: {  	_ =	shalt  }
0x7e: {  	_ =	shalt  }
0x7f: {  	_ =	shalt  }
0x80: {  	_ =	shalt  }
0x81: {  	_ =	shalt  }
0x82: {  	_ =	shalt  }
0x83: {  	_ =	shalt  }
0x84: {  	_ =	shalt  }
0x85: {  	_ =	shalt  }
0x86: {  	_ =	shalt  }
0x87: {  	_ =	shalt  }
.Lfunc_end0:
.L_simem_size_0:
called_computation_lowered:
.L_overlay_start_0:
0x88: {  	s2 =	sld [smem:$0x3FD9]  }
0x89: {  	s3 =	sld [smem:$0x3FFE];
	_ =	sdelay $0x1  }
0x8a: {  	s1 =	srdreg.scid  }
0x8b: {  	s0 =	sand.u32 $0x1, s1  }
0x8c: {  	s18 =	sshll.u32 s0, $0xA;
	s2 =	sadd.s32 s3, s2  }
0x8d: {  	s2 =	sadd.s32 s2, s18  }
0x8e: {  	[smem:$0x3FC4] =	sst s2  }
0x8f: {  	_ = 	snop  }
0x90: {  	s2 =	sld [smem:$0x3FC9]  }
0x91: {  	s19 =	sld [smem:$0x3FC8]  }
0x92: {  	s4 =	sld [smem:$0x3FC7]  }
0x93: {  	s5 =	sld [smem:$0x3FC6]  }
0x94: {  	s6 =	sld [smem:$0x3FD0];
	(tm) =	ssettm $0x1  }
0x95: {  	s7 =	sld [smem:$0x3FFB];
	_ =	sdelay $0x3  }
0x96: {  	_ =	strace s7  }
0x97: {  	s7 =	sld [smem:$0x3FFC];
	_ =	sdelay $0x3  }
0x98: {  	_ =	strace s7  }
0x99: {  	s7 =	sld [smem:$0x3FFD];
	_ =	sdelay $0x3  }
0x9a: {  	_ =	strace s7  }
0x9b: {  	_ =	strace $0x8FFFFFFF  }
0x9c: {  	s20 =	sld [smem:$0x3FDB];
	_ =	sdelay $0x1  }
0x9d: {  	s8 =	simm.s32 $_scs_section_size  }
0x9e: {  	s9 =	simm.s32 $_size__tile_overlayer_lowered;
	s10 =	simm.s32 $_tile_overlayer_lowered  }
0x9f: {  	s23 =	simm.s32 $0x1BFF;
	s22 =	sshll.u32 s10, $0x1;
	s7 =	sadd.s32 s8, s20  }
0xa0: {  	s11 =	simm.s32 $0x0;
	s21 =	sshll.u32 s9, $0x1;
	s9 =	sadd.s32 s22, s7  }
0xa1: {  	[timem:s11], [sflag:s23] =	dma.local [hbm:s9], s21  }
0xa2: {  	_ =	swait.ge [sflag:s23], s21  }
0xa3: {  	s8 =	ssub.s32 $0x0, s21;
	[sflag:s23] =	ssyncset.done $0x0  }
0xa4: {  	[sflag:s23] =	ssyncadd.s32 s8;
	_ =	sdelay $0x1  }
0xa5: {  	s24 =	simm.s32 $0x1B8B  }
0xa6: {  	_ =	swait.ge [sflag:s24], $0x1  }
0xa7: {  	[sflag:s24] =	ssyncset.done $0x0  }
0xa8: {  	s25 =	simm.s32 $0x1B8E;
	[sflag:s24] =	ssyncadd.s32 $0xFFFFFFFF  }
0xa9: {  	s26 =	simm.s32 $execute0_lowered;
	[smem:$0x3FD2] =	sst s25  }
0xaa: {  	s8 =	sshll.u32 s26, $0x1;
	_ =	strace $0x80000046;
	[dreg:$0x1] =	wrdreg $0xFFFFFFFF  }
0xab: {  	s28 =	simm.s32 $_size_execute0_lowered;
	s7 =	sadd.s32 s7, s8;
	[dreg:$0x0] =	wrdreg $0x0  }
0xac: {  	s8 =	sshll.u32 s28, $0x1;
	[dreg:$0x2] =	wrdreg s7  }
0xad: {  	[dreg:$0x3] =	wrdreg s8  }
0xae: {  	[dreg:$0x4] =	wrdreg $0xC0  }
0xaf: {  	_ =	task [dreg:s11], $0x5FFFF  }
0xb0: {  	[dreg:$0x1] =	wrdreg $0xFFFFFFFF  }
0xb1: {  	[dreg:$0x0] =	wrdreg $0x60  }
0xb2: {  	[dreg:$0x2] =	wrdreg s2  }
0xb3: {  	[dreg:$0x3] =	wrdreg s19  }
0xb4: {  	[dreg:$0x4] =	wrdreg s4  }
0xb5: {  	[dreg:$0x5] =	wrdreg s5  }
0xb6: {  	[dreg:$0x6] =	wrdreg s6  }
0xb7: {  	[dreg:$0x7] =	wrdreg $0x9  }
0xb8: {  	_ =	task.clear_ibuf [dreg:s11], $0x8FFFF;
	_ =	strace $0x90000046  }
0xb9: {  	s29 =	simm.s32 $0x9;
	_ =	strace $0x80000048  }
0xba: {  	_ =	swait.ge [sflag:s29], $0x1  }
0xbb: {  	[sflag:s29] =	ssyncadd.s32 $0xFFFFFFFF  }
0xbc: {  	_ =	strace $0x90000048  }
0xbd: {  	_ =	sfence  }
0xbe: {  	s30 =	sld [smem:$0x0];
	_ =	sdelay $0x2  }
0xbf: {  	s31 =	sshll.u32 s1, $0xD;
	s1 =	sshrl.u32 s1, $0x2  }
0xc0: {  	s3 =	sand.u32 $0x4000, s31;
	s1 =	sadd.s32 s1, s30  }
0xc1: {  	s0 =	sor.u32 s3, s0;
	s1 =	sshll.u32 s1, $0x11  }
0xc2: {  	s0 =	sor.u32 s1, s0  }
0xc3: {  	s0 =	sadd.s32 $0x8F2B, s0  }
0xc4: {  	[sflag:s0] =	ssyncadd.remote.s32 $0x1  }
0xc5: {  	_ =	sfence.sel $0xFFFF  }
0xc6: {  	[dreg:$0x0] =	wrdreg $0xFFFFFFFF;
	(pc) =	sbr.abs _section_cstart, $3  }
0xc7: {  	[dreg:$0x1] =	wrdreg $0xFFFFFFFF  }
0xc8: {  	_ =	task.clear_ibuf [dreg:s11], $0x2FFFF;
	_ =	strace $0x9FFFFFFF  }
0xc9: {  	(tm) =	ssettm $0x7FFFFFFF  }
tec
execute0_lowered:
.L_overlay_start_1:
0x0: {  	(tag) =	ssettag $0x1  }
0x1: {  	s0 =	rddreg [dreg:$0x0]  }
0x2: {  	s1 =	rddreg [dreg:$0x1]  }
0x3: {  	s2 =	rddreg [dreg:$0x2]  }
0x4: {  	s3 =	rddreg [dreg:$0x3]  }
0x5: {  	s13 =	rddreg [dreg:$0x4]  }
0x6: {  	s4 =	srdreg.scid;
	s6 =	stileid.u32;
	s16 =	simm.s32 $0x200  }
0x7: {  	s17 =	simm.s32 $0x280;
	s18 =	simm.s32 $0x300;
	s19 =	simm.s32 $0x4300  }
0x8: {  	s20 =	simm.s32 $0x1;
	s21 =	simm.s32 $0x8300;
	s22 =	simm.s32 $0x2  }
0x9: {  	s23 =	simm.s32 $0xC300;
	s24 =	simm.s32 $0x3;
	s25 =	simm.s32 $0x4  }
0xa: {  	s26 =	simm.s32 $0x0;
	s5 =	sand.u32 $0x1, s4;
	s4 =	simm.s32 $0x0  }
0xb: {  	s6 =	sshll.u32 s6, $0xA;
	s7 =	sshll.u32 s5, $0x9;
	[smem:$0x7FF] =	sst s4  }
0xc: {  	s5 =	ssub.s32 $0x2, s5;
	s6 =	sor.u32 s7, s6;
	_ =	strace $0x80000047  }
0xd: {  	s29 =	sshrl.u32 s5, $0x1;
	s9 =	sshll.u32 s6, $0x4;
	s30 =	sshrl.u32 s6, $0x3  }
0xe: {  	s14 =	ssub.s32 s5, s29;
	s10 =	sor.u32 $0x800, s9;
	s5 =	sadd.s32 s3, s30  }
0xf: {  	s6 =	sadd.s32 s0, s9;
	s8 =	sadd.s32 s13, s9;
	s31 =	sor.u32 $0x1000, s9  }
0x10: {  	s15 =	sor.u32 $0x1800, s9;
	s14 =	smax.u32 s14, $0x1;
	s7 =	sadd.s32 s0, s10  }
0x11: {  	s9 =	sadd.s32 s0, s31;
	s10 =	sadd.s32 s13, s10;
	s11 =	sadd.s32 s0, s15  }
0x12: {  	s12 =	sadd.s32 s13, s31;
	s13 =	sadd.s32 s13, s15;
	s15 =	simm.s32 $0x5  }
.LBB2_1:
0x13: {  	[tilespmem:s4], [sflag:$0x5] =	stream.linear.gather [hbm4b:s5+s4], $0x200, $0x38;
	[tilespmem:$0x10300] =	vst v63  }
0x14: {  	_ =	swait.ge [sflag:s15], $0x200  }
0x15: {  	[sflag:s15] =	ssyncset.done $0x0  }
0x16: {  	[sflag:s15] =	ssyncadd.s32 $0xFFFFFE00  }
0x17: {  	[tilespmem:s16], [sflag:$0x5] =	stream.linear.gather [hbm4b:s1+s4], $0x80, $0x38;
	[tilespmem:$0x10300] =	vst v63  }
0x18: {  	_ =	swait.ge [sflag:s15], $0x80  }
0x19: {  	[sflag:s15] =	ssyncset.done $0x0  }
0x1a: {  	[sflag:s15] =	ssyncadd.s32 $0xFFFFFF80  }
0x1b: {  	[tilespmem:s17], [sflag:$0x5] =	stream.linear.gather [hbm4b:s2+s4], $0x80, $0x38;
	[tilespmem:$0x10300] =	vst v63  }
0x1c: {  	_ =	swait.ge [sflag:s15], $0x80  }
0x1d: {  	v0 =	vmov s4;
	s0 =	simm.s32 $0x2;
	[sflag:s15] =	ssyncset.done $0x0  }
0x1e: {  	v0 =	vand.u32 $0xFFFFFFFC, v0;
	v1 =	vmov s0;
	[sflag:s15] =	ssyncadd.s32 $0xFFFFFF80  }
0x1f: {  	v0 =	vbroadcast v0, $0x0;
	v1 =	vand.u32 $0xFFFFFFFE, v1;
	[tilespmem:s18], [sflag:$0x1] =	stream.linear.gather [hbm4b:s6+s4], $0x4000, $0x38;
	[tilespmem:$0x10300] =	vst v63  }
0x20: {  	v1 =	vbroadcast v1, $0x0  }
0x21: {  	[tilespmem:s19], [sflag:$0x2] =	stream.linear.gather [hbm4b:s7+s4], $0x4000, $0x38;
	[tilespmem:$0x10300] =	vst v63  }
0x22: {  	_ =	swait.ge [sflag:s20], $0x4000  }
0x23: {  	s0 =	simm.s32 $0x1;
	[sflag:s20] =	ssyncset.done $0x0  }
0x24: {  	s3 =	simm.s32 $0x3;
	v2 =	vmov s0;
	[sflag:s20] =	ssyncadd.s32 $0xFFFFC000  }
0x25: {  	v3 =	vmov s3;
	v4 =	vld.idx.msk [tilespmem:v0+s4+$0x0], $0xffff;
	v0 =	vand.u32 $0xFFFFFFFD, v2  }
0x26: {  	v1 =	vld.idx.msk [tilespmem:v1+s4+$0x0], $0xffff;
	v0 =	vbroadcast v0, $0x0;
	_ =	sdelay $0x3  }
0x27: {  	s29 =	simm.s32 $0x400;
	v6 =	vld.idx.msk [tilespmem:v3+s4+$0x0], $0xffff  }
0x28: {  	v7 =	vld [tilespmem:s29+$0x0]  }
0x29: {  	v2 =	vld.idx.msk [tilespmem:v0+s4+$0x0], $0xffff  }
0x2a: {  	v5 =	vld.idx.msk [tilespmem:v4+s17+$0x0], $0xffff  }
0x2b: {  	v12 =	vld.idx.msk [tilespmem:v1+s17+$0x0], $0xffff  }
0x2c: {  	v10 =	vld.idx.msk [tilespmem:v1+s16+$0x0], $0xffff  }
0x2d: {  	v1 =	vld [tilespmem:s29+$0xFFFFFF00]  }
0x2e: {  	v8 =	vld [tilespmem:s29+$0xFFFFFF80]  }
0x2f: {  	v4 =	vld.idx.msk [tilespmem:v4+s16+$0x0], $0xffff  }
0x30: {  	v9 =	vld [tilespmem:s29+$0x80];
	v7 =	vmul.f32 v7, v12  }
0x31: {  	v0 =	vld.idx.msk [tilespmem:v6+s17+$0x0], $0xffff  }
0x32: {  	v11 =	vmul.f32 v1, v5;
	v3 =	vld.idx.msk [tilespmem:v2+s17+$0x0], $0xffff;
	v7 =	vadd.f32 v7, v10  }
0x33: {  	s28 =	simm.s32 $0x8400;
	v1 =	vld.idx.msk [tilespmem:v6+s16+$0x0], $0xffff  }
0x34: {  	v2 =	vld.idx.msk [tilespmem:v2+s16+$0x0], $0xffff;
	v6 =	vadd.f32 v11, v4;
	[tilespmem:s28+$0x0] =	vst v7  }
0x35: {  	v7 =	vld [tilespmem:s29+$0x10]  }
0x36: {  	[tilespmem:s28+$0xFFFFFF00] =	vst v6;
	v6 =	vmul.f32 v9, v0  }
0x37: {  	v9 =	vld [tilespmem:s29+$0xFFFFFF10];
	v8 =	vmul.f32 v8, v3  }
0x38: {  	v6 =	vadd.f32 v6, v1  }
0x39: {  	v8 =	vadd.f32 v8, v2  }
0x3a: {  	[tilespmem:s28+$0x80] =	vst v6;
	v7 =	vmul.f32 v7, v12  }
0x3b: {  	s3 =	simm.s32 $0x4;
	v11 =	vld [tilespmem:s29+$0x90];
	[tilespmem:s28+$0xFFFFFF80] =	vst v8  }
0x3c: {  	v6 =	vmov s3;
	s3 =	simm.s32 $0x7;
	v9 =	vmul.f32 v9, v5;
	v8 =	vld [tilespmem:s29+$0xFFFFFF90];
	v7 =	vadd.f32 v7, v10  }
0x3d: {  	v6 =	vand.u32 $0xFFFFFFFC, v6;
	v13 =	vmov s3  }
0x3e: {  	v6 =	vbroadcast v6, $0x0;
	v9 =	vadd.f32 v9, v4;
	[tilespmem:s28+$0x10] =	vst v7  }
0x3f: {  	s3 =	simm.s32 $0x5;
	v7 =	vld [tilespmem:s29+$0x20]  }
0x40: {  	v14 =	vmov s3;
	[tilespmem:s28+$0xFFFFFF10] =	vst v9;
	v11 =	vmul.f32 v11, v0  }
0x41: {  	v9 =	vand.u32 $0xFFFFFFFD, v14;
	v14 =	vld [tilespmem:s29+$0xFFFFFF20];
	v8 =	vmul.f32 v8, v3  }
0x42: {  	v13 =	vld.idx.msk [tilespmem:v13+s4+$0x0], $0xffff;
	v9 =	vbroadcast v9, $0x0;
	v11 =	vadd.f32 v11, v1  }
0x43: {  	v8 =	vadd.f32 v8, v2  }
0x44: {  	v15 =	vld.idx.msk [tilespmem:v6+s4+$0x0], $0xffff;
	[tilespmem:s28+$0x90] =	vst v11;
	v6 =	vmul.f32 v7, v12  }
0x45: {  	s3 =	simm.s32 $0x6;
	[tilespmem:s28+$0xFFFFFF90] =	vst v8;
	v8 =	vld [tilespmem:s29+$0xA0]  }
0x46: {  	v11 =	vmov s3;
	v14 =	vmul.f32 v14, v5;
	v6 =	vadd.f32 v6, v10  }
0x47: {  	v11 =	vand.u32 $0xFFFFFFFE, v11;
	v7 =	vld [tilespmem:s29+$0xFFFFFFA0]  }
0x48: {  	v16 =	vld.idx.msk [tilespmem:v9+s4+$0x0], $0xffff;
	v9 =	vbroadcast v11, $0x0;
	v11 =	vadd.f32 v14, v4;
	[tilespmem:s28+$0x20] =	vst v6  }
0x49: {  	v14 =	vld [tilespmem:s29+$0x30]  }
0x4a: {  	v6 =	vld.idx.msk [tilespmem:v13+s16+$0x0], $0xffff;
	[tilespmem:s28+$0xFFFFFF20] =	vst v11;
	v11 =	vmul.f32 v8, v0  }
0x4b: {  	v18 =	vld [tilespmem:s29+$0xFFFFFF30]  }
0x4c: {  	v8 =	vld.idx.msk [tilespmem:v15+s16+$0x0], $0xffff;
	v17 =	vmul.f32 v7, v3;
	v11 =	vadd.f32 v11, v1  }
0x4d: {  	v7 =	vld.idx.msk [tilespmem:v13+s17+$0x0], $0xffff  }
0x4e: {  	v13 =	vadd.f32 v17, v2;
	v17 =	vld.idx.msk [tilespmem:v9+s4+$0x0], $0xffff;
	v9 =	vmul.f32 v14, v12;
	[tilespmem:s28+$0xA0] =	vst v11  }
0x4f: {  	v19 =	vld [tilespmem:s29+$0xB0]  }
0x50: {  	v11 =	vmul.f32 v18, v5;
	[tilespmem:s28+$0xFFFFFFA0] =	vst v13;
	v13 =	vld.idx.msk [tilespmem:v15+s17+$0x0], $0xffff;
	v18 =	vadd.f32 v9, v10  }
0x51: {  	v14 =	vld [tilespmem:s29+$0xFFFFFFB0]  }
0x52: {  	v9 =	vld.idx.msk [tilespmem:v16+s16+$0x0], $0xffff;
	v15 =	vadd.f32 v11, v4;
	[tilespmem:s28+$0x30] =	vst v18  }
0x53: {  	v18 =	vld [tilespmem:s29+$0x40]  }
0x54: {  	v11 =	vld.idx.msk [tilespmem:v16+s17+$0x0], $0xffff;
	[tilespmem:s28+$0xFFFFFF30] =	vst v15  }
0x55: {  	s30 =	simm.s32 $0x600;
	v16 =	vld [tilespmem:s29+$0xFFFFFF40]  }
0x56: {  	v21 =	vld [tilespmem:s30+$0x0]  }
0x57: {  	v15 =	vld.idx.msk [tilespmem:v17+s17+$0x0], $0xffff;
	v20 =	vmul.f32 v14, v3  }
0x58: {  	v14 =	vld.idx.msk [tilespmem:v17+s16+$0x0], $0xffff;
	v17 =	vmul.f32 v18, v12  }
0x59: {  	s3 =	simm.s32 $0x8;
	v18 =	vmul.f32 v19, v0;
	v19 =	vadd.f32 v20, v2;
	v20 =	vld [tilespmem:s30+$0xFFFFFF00]  }
0x5a: {  	v23 =	vld [tilespmem:s30+$0xFFFFFF80];
	v22 =	vmov s3;
	s3 =	simm.s32 $0xB;
	v16 =	vmul.f32 v16, v5;
	v17 =	vadd.f32 v17, v10  }
0x5b: {  	v24 =	vld [tilespmem:s30+$0x80];
	v18 =	vadd.f32 v18, v1;
	[tilespmem:s28+$0xFFFFFFB0] =	vst v19;
	v19 =	vand.u32 $0xFFFFFFFC, v22;
	v22 =	vmov s3  }
0x5c: {  	v21 =	vmul.f32 v21, v15;
	v16 =	vadd.f32 v16, v4;
	v19 =	vbroadcast v19, $0x0;
	v25 =	vld [tilespmem:s29+$0xFFFFFFC0];
	[tilespmem:s28+$0x40] =	vst v17  }
0x5d: {  	[tilespmem:s28+$0xB0] =	vst v18;
	v18 =	vld [tilespmem:s29+$0x50]  }
0x5e: {  	v21 =	vadd.f32 v21, v14;
	[tilespmem:s28+$0xFFFFFF40] =	vst v16;
	v20 =	vmul.f32 v20, v13;
	v16 =	vld [tilespmem:s29+$0xC0]  }
0x5f: {  	s31 =	simm.s32 $0x8600;
	v23 =	vmul.f32 v23, v11;
	v26 =	vld [tilespmem:s29+$0xFFFFFF50]  }
0x60: {  	[tilespmem:s31+$0x0] =	vst v21;
	v21 =	vmul.f32 v24, v7;
	v17 =	vld.idx.msk [tilespmem:v22+s4+$0x0], $0xffff;
	v20 =	vadd.f32 v20, v8  }
0x61: {  	s3 =	simm.s32 $0x9;
	v22 =	vadd.f32 v23, v9;
	v23 =	vld [tilespmem:s30+$0x10];
	v24 =	vmul.f32 v25, v3  }
0x62: {  	v25 =	vmov s3;
	v19 =	vld.idx.msk [tilespmem:v19+s4+$0x0], $0xffff;
	[tilespmem:s31+$0xFFFFFF00] =	vst v20;
	v20 =	vadd.f32 v21, v6;
	v18 =	vmul.f32 v18, v12  }
0x63: {  	v21 =	vand.u32 $0xFFFFFFFD, v25;
	[tilespmem:s31+$0xFFFFFF80] =	vst v22;
	v25 =	vld [tilespmem:s30+$0xFFFFFF10];
	v22 =	vadd.f32 v24, v2;
	v16 =	vmul.f32 v16, v0  }
0x64: {  	v21 =	vbroadcast v21, $0x0;
	v24 =	vld [tilespmem:s30+$0xFFFFFF90];
	[tilespmem:s31+$0x80] =	vst v20;
	v20 =	vmul.f32 v26, v5;
	v18 =	vadd.f32 v18, v10  }
0x65: {  	v26 =	vld [tilespmem:s30+$0x90];
	[tilespmem:s28+$0xFFFFFFC0] =	vst v22;
	v16 =	vadd.f32 v16, v1  }
0x66: {  	v22 =	vmul.f32 v23, v15;
	v20 =	vadd.f32 v20, v4;
	v23 =	vld [tilespmem:s29+$0xFFFFFFD0];
	[tilespmem:s28+$0x50] =	vst v18  }
0x67: {  	[tilespmem:s28+$0xC0] =	vst v16;
	v18 =	vld [tilespmem:s29+$0x60]  }
0x68: {  	v22 =	vadd.f32 v22, v14;
	v16 =	vmul.f32 v25, v13;
	[tilespmem:s28+$0xFFFFFF50] =	vst v20;
	v20 =	vld [tilespmem:s29+$0xD0]  }
0x69: {  	v24 =	vmul.f32 v24, v11;
	v25 =	vld [tilespmem:s29+$0xFFFFFF60]  }
0x6a: {  	v21 =	vld.idx.msk [tilespmem:v21+s4+$0x0], $0xffff;
	[tilespmem:s31+$0x10] =	vst v22;
	v27 =	vadd.f32 v16, v8;
	v22 =	vmul.f32 v26, v7  }
0x6b: {  	v24 =	vadd.f32 v24, v9;
	v26 =	vld [tilespmem:s30+$0x20];
	v23 =	vmul.f32 v23, v3  }
0x6c: {  	v16 =	vld.idx.msk [tilespmem:v17+s16+$0x0], $0xffff;
	[tilespmem:s31+$0xFFFFFF10] =	vst v27;
	v22 =	vadd.f32 v22, v6;
	v18 =	vmul.f32 v18, v12  }
0x6d: {  	[tilespmem:s31+$0xFFFFFF90] =	vst v24;
	v29 =	vld [tilespmem:s30+$0xFFFFFF20];
	v23 =	vadd.f32 v23, v2;
	v20 =	vmul.f32 v20, v0  }
0x6e: {  	v28 =	vld [tilespmem:s30+$0xFFFFFFA0];
	[tilespmem:s31+$0x90] =	vst v22;
	v22 =	vmul.f32 v25, v5;
	v18 =	vadd.f32 v18, v10  }
0x6f: {  	v27 =	vld [tilespmem:s30+$0xA0];
	[tilespmem:s28+$0xFFFFFFD0] =	vst v23;
	v20 =	vadd.f32 v20, v1  }
0x70: {  	v30 =	vmul.f32 v26, v15;
	v24 =	vld [tilespmem:s29+$0xFFFFFFE0];
	v26 =	vadd.f32 v22, v4;
	[tilespmem:s28+$0x60] =	vst v18  }
0x71: {  	s0 =	simm.s32 $0xC;
	s3 =	simm.s32 $0xA;
	[tilespmem:s28+$0xD0] =	vst v20;
	v25 =	vld [tilespmem:s29+$0x70]  }
.LBB2_2:
0x72: {  	p0 =	slt.u32 s0, $0x7C;
	v18 =	vmov s3;
	v20 =	vmul.f32 v29, v13;
	v22 =	vadd.f32 v30, v14;
	[tilespmem:s28+$0xFFFFFF60] =	vst v26;
	v23 =	vld [tilespmem:s29+$0xE0]  }
0x73: {  	v18 =	vand.u32 $0xFFFFFFFE, v18;
	v26 =	vmul.f32 v28, v11;
	v28 =	vld [tilespmem:s29+$0xFFFFFF70]  }
0x74: {  	v18 =	vbroadcast v18, $0x0;
	v17 =	vld.idx.msk [tilespmem:v17+s17+$0x0], $0xffff;
	v20 =	vadd.f32 v20, v8;
	[tilespmem:s31+$0x20] =	vst v22;
	v22 =	vmul.f32 v27, v7  }
0x75: {  	v26 =	vadd.f32 v26, v9;
	v27 =	vld [tilespmem:s30+$0x30];
	v24 =	vmul.f32 v24, v3  }
0x76: {  	v29 =	vld.idx.msk [tilespmem:v19+s16+$0x0], $0xffff;
	[tilespmem:s31+$0xFFFFFF20] =	vst v20;
	v20 =	vadd.f32 v22, v6;
	v22 =	vmul.f32 v25, v12;
	v12 =	vmov v15  }
0x77: {  	v15 =	vld [tilespmem:s30+$0xFFFFFF30];
	[tilespmem:s31+$0xFFFFFFA0] =	vst v26;
	v24 =	vadd.f32 v24, v2;
	v23 =	vmul.f32 v23, v0  }
0x78: {  	v25 =	vld [tilespmem:s30+$0xFFFFFFB0];
	[tilespmem:s31+$0xA0] =	vst v20;
	v20 =	vmul.f32 v28, v5;
	v22 =	vadd.f32 v22, v10;
	v5 =	vmovc v13;
	v10 =	vmov v14  }
0x79: {  	v14 =	vld [tilespmem:s30+$0xB0];
	[tilespmem:s28+$0xFFFFFFE0] =	vst v24;
	v13 =	vadd.f32 v23, v1  }
0x7a: {  	v18 =	vld.idx.msk [tilespmem:v18+s4+$0x0], $0xffff;
	v23 =	vmul.f32 v27, v12;
	v20 =	vadd.f32 v20, v4;
	[tilespmem:s28+$0x70] =	vst v22;
	v4 =	vmov v8  }
0x7b: {  	v22 =	vld [tilespmem:s29+$0xFFFFFFF0];
	[tilespmem:s28+$0xE0] =	vst v13  }
0x7c: {  	v8 =	vmov v29;
	v15 =	vmul.f32 v15, v5;
	v23 =	vadd.f32 v23, v10;
	[tilespmem:s28+$0xFFFFFF70] =	vst v20;
	v20 =	vld [tilespmem:s29+$0xF0];
	s29 =	smov.u32 s30  }
0x7d: {  	v13 =	vld.idx.msk [tilespmem:v19+s17+$0x0], $0xffff;
	v19 =	vmul.f32 v25, v11  }
0x7e: {  	v24 =	vld.idx.msk [tilespmem:v21+s16+$0x0], $0xffff;
	v15 =	vadd.f32 v15, v4;
	[tilespmem:s31+$0x30] =	vst v23;
	v14 =	vmul.f32 v14, v7  }
0x7f: {  	v19 =	vadd.f32 v19, v9;
	v23 =	vld [tilespmem:s30+$0x40]  }
0x80: {  	[tilespmem:s31+$0xFFFFFF30] =	vst v15;
	v14 =	vadd.f32 v14, v6;
	v22 =	vmul.f32 v22, v3;
	v3 =	vmov v11;
	v11 =	vld.idx.msk [tilespmem:v21+s17+$0x0], $0xffff  }
0x81: {  	v21 =	vld [tilespmem:s30+$0xFFFFFF40];
	[tilespmem:s31+$0xFFFFFFB0] =	vst v19;
	v19 =	vmul.f32 v20, v0;
	v0 =	vmov v7;
	v7 =	vmov v17  }
0x82: {  	s30 =	sadd.s32 $0x200, s30;
	v15 =	vld.idx.msk [tilespmem:v18+s17+$0x0], $0xffff;
	[tilespmem:s31+$0xB0] =	vst v14;
	v17 =	vadd.f32 v22, v2;
	v2 =	vmov v9  }
0x83: {  	v20 =	vld [tilespmem:s30+$0x0];
	v19 =	vadd.f32 v19, v1;
	v1 =	vmov v6;
	v6 =	vmov v16  }
0x84: {  	v9 =	vmov v24;
	v14 =	vld.idx.msk [tilespmem:v18+s16+$0x0], $0xffff;
	v16 =	vmul.f32 v23, v12;
	[tilespmem:s28+$0xFFFFFFF0] =	vst v17  }
0x85: {  	v17 =	vld [tilespmem:s30+$0xFFFFFF00];
	[tilespmem:s28+$0xF0] =	vst v19;
	s28 =	smov.u32 s31  }
0x86: {  	s3 =	sadd.s32 $0x3, s0;
	v18 =	vmov s0;
	v19 =	vld [tilespmem:s30+$0xFFFFFF80];
	v21 =	vmul.f32 v21, v5;
	v16 =	vadd.f32 v16, v10  }
0x87: {  	v22 =	vmov s3;
	v18 =	vand.u32 $0xFFFFFFFC, v18;
	v23 =	vld [tilespmem:s30+$0x80]  }
0x88: {  	v18 =	vbroadcast v18, $0x0;
	v20 =	vmul.f32 v20, v15;
	v21 =	vadd.f32 v21, v4;
	v24 =	vld [tilespmem:s29+$0xFFFFFFC0];
	[tilespmem:s31+$0x40] =	vst v16  }
0x89: {  	v16 =	vld [tilespmem:s29+$0x50]  }
0x8a: {  	v25 =	vmul.f32 v17, v13;
	v20 =	vadd.f32 v20, v14;
	[tilespmem:s31+$0xFFFFFF40] =	vst v21;
	v21 =	vld [tilespmem:s29+$0xC0]  }
0x8b: {  	s31 =	sadd.s32 $0x200, s31;
	v19 =	vmul.f32 v19, v11;
	v26 =	vld [tilespmem:s29+$0xFFFFFF50]  }
0x8c: {  	v17 =	vld.idx.msk [tilespmem:v22+s4+$0x0], $0xffff;
	v22 =	vadd.f32 v25, v8;
	[tilespmem:s31+$0x0] =	vst v20;
	v20 =	vmul.f32 v23, v7  }
0x8d: {  	s3 =	sadd.s32 $0x1, s0;
	v23 =	vadd.f32 v19, v9;
	v25 =	vld [tilespmem:s30+$0x10];
	v24 =	vmul.f32 v24, v3  }
0x8e: {  	v19 =	vld.idx.msk [tilespmem:v18+s4+$0x0], $0xffff;
	v18 =	vmov s3;
	[tilespmem:s31+$0xFFFFFF00] =	vst v22;
	v20 =	vadd.f32 v20, v6;
	v16 =	vmul.f32 v16, v12  }
0x8f: {  	v18 =	vand.u32 $0xFFFFFFFD, v18;
	v22 =	vld [tilespmem:s30+$0xFFFFFF10];
	[tilespmem:s31+$0xFFFFFF80] =	vst v23;
	v23 =	vadd.f32 v24, v2;
	v21 =	vmul.f32 v21, v0  }
0x90: {  	v18 =	vbroadcast v18, $0x0;
	v24 =	vld [tilespmem:s30+$0xFFFFFF90];
	[tilespmem:s31+$0x80] =	vst v20;
	v20 =	vmul.f32 v26, v5;
	v16 =	vadd.f32 v16, v10  }
0x91: {  	v26 =	vld [tilespmem:s30+$0x90];
	[tilespmem:s28+$0xFFFFFFC0] =	vst v23;
	v21 =	vadd.f32 v21, v1  }
0x92: {  	v23 =	vmul.f32 v25, v15;
	v20 =	vadd.f32 v20, v4;
	v25 =	vld [tilespmem:s29+$0xFFFFFFD0];
	[tilespmem:s28+$0x50] =	vst v16  }
0x93: {  	v27 =	vld [tilespmem:s29+$0x60];
	[tilespmem:s28+$0xC0] =	vst v21  }
0x94: {  	v16 =	vmul.f32 v22, v13;
	v22 =	vadd.f32 v23, v14;
	[tilespmem:s28+$0xFFFFFF50] =	vst v20;
	v20 =	vld [tilespmem:s29+$0xD0]  }
0x95: {  	v23 =	vmul.f32 v24, v11;
	v24 =	vld [tilespmem:s29+$0xFFFFFF60]  }
0x96: {  	v21 =	vld.idx.msk [tilespmem:v18+s4+$0x0], $0xffff;
	v18 =	vadd.f32 v16, v8;
	[tilespmem:s31+$0x10] =	vst v22;
	v22 =	vmul.f32 v26, v7  }
0x97: {  	v23 =	vadd.f32 v23, v9;
	v26 =	vld [tilespmem:s30+$0x20];
	v25 =	vmul.f32 v25, v3  }
0x98: {  	v16 =	vld.idx.msk [tilespmem:v17+s16+$0x0], $0xffff;
	[tilespmem:s31+$0xFFFFFF10] =	vst v18;
	v18 =	vadd.f32 v22, v6;
	v22 =	vmul.f32 v27, v12  }
.Ltmp0:
0x99: {  	v29 =	vld [tilespmem:s30+$0xFFFFFF20];
	[tilespmem:s31+$0xFFFFFF90] =	vst v23;
	v23 =	vadd.f32 v25, v2;
	v20 =	vmul.f32 v20, v0;
	(pc) =	sbr.rel @p0 .LBB2_2-.Ltmp0, $4  }
0x9a: {  	v28 =	vld [tilespmem:s30+$0xFFFFFFA0];
	[tilespmem:s31+$0x90] =	vst v18;
	v18 =	vmul.f32 v24, v5;
	v22 =	vadd.f32 v22, v10  }
0x9b: {  	v27 =	vld [tilespmem:s30+$0xA0];
	[tilespmem:s28+$0xFFFFFFD0] =	vst v23;
	v20 =	vadd.f32 v20, v1  }
0x9c: {  	v30 =	vmul.f32 v26, v15;
	v26 =	vadd.f32 v18, v4;
	v24 =	vld [tilespmem:s29+$0xFFFFFFE0];
	[tilespmem:s28+$0x60] =	vst v22  }
0x9d: {  	s3 =	sadd.s32 $0x2, s0;
	s0 =	sadd.s32 $0x4, s0;
	v25 =	vld [tilespmem:s29+$0x70];
	[tilespmem:s28+$0xD0] =	vst v20  }
0x9e: {  	v18 =	vmov s3  }
0x9f: {  	v18 =	vand.u32 $0xFFFFFFFE, v18  }
0xa0: {  	v18 =	vbroadcast v18, $0x0;
	_ =	sdelay $0x5  }
0xa1: {  	v22 =	vld.idx.msk [tilespmem:v18+s4+$0x0], $0xffff;
	_ =	sdelay $0x1  }
0xa2: {  	v17 =	vld.idx.msk [tilespmem:v17+s17+$0x0], $0xffff  }
0xa3: {  	v20 =	vld.idx.msk [tilespmem:v19+s17+$0x0], $0xffff;
	s3 =	sadd.s32 $0x200, s30  }
0xa4: {  	v31 =	vld [tilespmem:s3+$0x0]  }
0xa5: {  	v32 =	vld [tilespmem:s3+$0xFFFFFF00]  }
0xa6: {  	v33 =	vld [tilespmem:s3+$0xFFFFFF80]  }
0xa7: {  	v18 =	vld.idx.msk [tilespmem:v19+s16+$0x0], $0xffff  }
0xa8: {  	v23 =	vld.idx.msk [tilespmem:v22+s17+$0x0], $0xffff  }
0xa9: {  	v19 =	vld.idx.msk [tilespmem:v21+s17+$0x0], $0xffff  }
0xaa: {  	v22 =	vld.idx.msk [tilespmem:v22+s16+$0x0], $0xffff  }
0xab: {  	v34 =	vld [tilespmem:s3+$0x80]  }
0xac: {  	v21 =	vld.idx.msk [tilespmem:v21+s16+$0x0], $0xffff  }
0xad: {  	v31 =	vmul.f32 v31, v23  }
0xae: {  	v32 =	vmul.f32 v32, v20  }
0xaf: {  	v33 =	vmul.f32 v33, v19;
	v31 =	vadd.f32 v31, v22  }
0xb0: {  	s0 =	sadd.s32 $0x200, s31;
	v34 =	vmul.f32 v34, v17;
	v32 =	vadd.f32 v32, v18  }
0xb1: {  	[tilespmem:s0+$0x0] =	vst v31;
	v31 =	vadd.f32 v33, v21  }
0xb2: {  	v49 =	vadd.f32 v34, v16;
	[tilespmem:s0+$0xFFFFFF00] =	vst v32;
	v48 =	vld [tilespmem:s3+$0x10]  }
0xb3: {  	v50 =	vld [tilespmem:s3+$0xFFFFFF10];
	[tilespmem:s0+$0xFFFFFF80] =	vst v31  }
0xb4: {  	[tilespmem:s0+$0x80] =	vst v49;
	v31 =	vld [tilespmem:s3+$0xFFFFFF90]  }
0xb5: {  	v32 =	vld [tilespmem:s3+$0x90];
	_ =	sdelay $0x1  }
0xb6: {  	v33 =	vmul.f32 v48, v23  }
0xb7: {  	v34 =	vmul.f32 v50, v20  }
0xb8: {  	v33 =	vadd.f32 v33, v22;
	v31 =	vmul.f32 v31, v19  }
0xb9: {  	v32 =	vmul.f32 v32, v17;
	v34 =	vadd.f32 v34, v18  }
0xba: {  	[tilespmem:s0+$0x10] =	vst v33;
	v31 =	vadd.f32 v31, v21  }
0xbb: {  	v32 =	vadd.f32 v32, v16;
	[tilespmem:s0+$0xFFFFFF10] =	vst v34;
	v33 =	vld [tilespmem:s3+$0x20]  }
0xbc: {  	v34 =	vld [tilespmem:s3+$0xFFFFFF20];
	[tilespmem:s0+$0xFFFFFF90] =	vst v31  }
0xbd: {  	v29 =	vmul.f32 v29, v13;
	[tilespmem:s0+$0x90] =	vst v32;
	v31 =	vld [tilespmem:s3+$0xFFFFFFA0]  }
0xbe: {  	v30 =	vadd.f32 v30, v14;
	v28 =	vmul.f32 v28, v11;
	v32 =	vld [tilespmem:s3+$0xA0]  }
0xbf: {  	v29 =	vadd.f32 v29, v8;
	v27 =	vmul.f32 v27, v7  }
0xc0: {  	[tilespmem:s31+$0x20] =	vst v30;
	v28 =	vadd.f32 v28, v9;
	v30 =	vmul.f32 v33, v23  }
0xc1: {  	v51 =	vld [tilespmem:s30+$0x30];
	[tilespmem:s31+$0xFFFFFF20] =	vst v29;
	v27 =	vadd.f32 v27, v6;
	v29 =	vmul.f32 v34, v20  }
0xc2: {  	v52 =	vld [tilespmem:s30+$0xFFFFFF30];
	[tilespmem:s31+$0xFFFFFFA0] =	vst v28;
	v28 =	vadd.f32 v30, v22;
	v30 =	vmul.f32 v31, v19  }
0xc3: {  	[tilespmem:s31+$0xA0] =	vst v27;
	v27 =	vadd.f32 v29, v18;
	v29 =	vmul.f32 v32, v17;
	v31 =	vld [tilespmem:s30+$0xFFFFFFB0]  }
0xc4: {  	v53 =	vld [tilespmem:s30+$0xB0];
	[tilespmem:s0+$0x20] =	vst v28;
	v28 =	vadd.f32 v30, v21  }
0xc5: {  	[tilespmem:s0+$0xFFFFFF20] =	vst v27;
	v27 =	vadd.f32 v29, v16;
	v30 =	vld [tilespmem:s3+$0x30]  }
0xc6: {  	v29 =	vmul.f32 v51, v15;
	v54 =	vld [tilespmem:s3+$0xFFFFFF30];
	[tilespmem:s0+$0xFFFFFFA0] =	vst v28  }
0xc7: {  	[tilespmem:s0+$0xA0] =	vst v27;
	v28 =	vmul.f32 v52, v13;
	v55 =	vld [tilespmem:s3+$0xFFFFFFB0]  }
0xc8: {  	v27 =	vadd.f32 v29, v14;
	v29 =	vmul.f32 v31, v11;
	v31 =	vld [tilespmem:s3+$0xB0]  }
0xc9: {  	v32 =	vmul.f32 v53, v7;
	v28 =	vadd.f32 v28, v8  }
0xca: {  	[tilespmem:s31+$0x30] =	vst v27;
	v27 =	vadd.f32 v29, v9;
	v29 =	vmul.f32 v30, v23  }
0xcb: {  	v56 =	vmul.f32 v54, v20;
	v30 =	vld [tilespmem:s30+$0x40];
	[tilespmem:s31+$0xFFFFFF30] =	vst v28;
	v28 =	vadd.f32 v32, v6  }
0xcc: {  	v57 =	vld [tilespmem:s30+$0xFFFFFF40];
	[tilespmem:s31+$0xFFFFFFB0] =	vst v27;
	v27 =	vadd.f32 v29, v22;
	v29 =	vmul.f32 v55, v19  }
0xcd: {  	v32 =	vadd.f32 v56, v18;
	[tilespmem:s31+$0xB0] =	vst v28;
	v28 =	vld [tilespmem:s30+$0xFFFFFFC0];
	v31 =	vmul.f32 v31, v17  }
0xce: {  	v58 =	vld [tilespmem:s30+$0xC0];
	[tilespmem:s0+$0x30] =	vst v27;
	v27 =	vadd.f32 v29, v21  }
0xcf: {  	[tilespmem:s0+$0xFFFFFF30] =	vst v32;
	v31 =	vadd.f32 v31, v16;
	v29 =	vld [tilespmem:s3+$0x40]  }
0xd0: {  	v32 =	vld [tilespmem:s3+$0xFFFFFF40];
	v30 =	vmul.f32 v30, v15;
	[tilespmem:s0+$0xFFFFFFB0] =	vst v27  }
0xd1: {  	v27 =	vmul.f32 v57, v13;
	[tilespmem:s0+$0xB0] =	vst v31;
	v31 =	vld [tilespmem:s3+$0xFFFFFFC0]  }
0xd2: {  	v30 =	vadd.f32 v30, v14;
	v28 =	vmul.f32 v28, v11;
	v59 =	vld [tilespmem:s3+$0xC0]  }
0xd3: {  	[tilespmem:s28+$0xFFFFFF60] =	vst v26;
	v26 =	vadd.f32 v27, v8;
	v27 =	vmul.f32 v58, v7  }
0xd4: {  	[tilespmem:s31+$0x40] =	vst v30;
	v28 =	vadd.f32 v28, v9;
	v29 =	vmul.f32 v29, v23  }
0xd5: {  	v30 =	vld [tilespmem:s30+$0x50];
	[tilespmem:s31+$0xFFFFFF40] =	vst v26;
	v26 =	vadd.f32 v27, v6;
	v27 =	vmul.f32 v32, v20  }
0xd6: {  	v60 =	vld [tilespmem:s30+$0xFFFFFF50];
	[tilespmem:s31+$0xFFFFFFC0] =	vst v28;
	v28 =	vadd.f32 v29, v22;
	v29 =	vmul.f32 v31, v19  }
0xd7: {  	v31 =	vld [tilespmem:s30+$0xFFFFFFD0];
	[tilespmem:s31+$0xC0] =	vst v26;
	v26 =	vadd.f32 v27, v18;
	v27 =	vmul.f32 v59, v17  }
0xd8: {  	v24 =	vmul.f32 v24, v3;
	v61 =	vld [tilespmem:s30+$0xD0];
	[tilespmem:s0+$0x40] =	vst v28;
	v28 =	vadd.f32 v29, v21  }
0xd9: {  	v12 =	vmul.f32 v25, v12;
	[tilespmem:s0+$0xFFFFFF40] =	vst v26;
	v26 =	vadd.f32 v27, v16;
	v25 =	vld [tilespmem:s3+$0x50]  }
0xda: {  	v24 =	vadd.f32 v24, v2;
	v27 =	vmul.f32 v30, v15;
	v29 =	vld [tilespmem:s3+$0xFFFFFF50];
	[tilespmem:s0+$0xFFFFFFC0] =	vst v28  }
0xdb: {  	v10 =	vadd.f32 v12, v10;
	v12 =	vmul.f32 v60, v13;
	[tilespmem:s0+$0xC0] =	vst v26;
	v28 =	vld [tilespmem:s3+$0xFFFFFFD0]  }
0xdc: {  	[tilespmem:s28+$0xFFFFFFE0] =	vst v24;
	v24 =	vadd.f32 v27, v14;
	v26 =	vmul.f32 v31, v11;
	v27 =	vld [tilespmem:s3+$0xD0]  }
0xdd: {  	[tilespmem:s28+$0x70] =	vst v10;
	v30 =	vld [tilespmem:s29+$0xE0];
	v10 =	vadd.f32 v12, v8;
	v12 =	vmul.f32 v61, v7  }
0xde: {  	v31 =	vld [tilespmem:s29+$0xFFFFFF70];
	[tilespmem:s31+$0x50] =	vst v24;
	v24 =	vadd.f32 v26, v9;
	v25 =	vmul.f32 v25, v23  }
0xdf: {  	v26 =	vld [tilespmem:s30+$0x60];
	[tilespmem:s31+$0xFFFFFF50] =	vst v10;
	v10 =	vadd.f32 v12, v6;
	v12 =	vmul.f32 v29, v20  }
0xe0: {  	v29 =	vld [tilespmem:s30+$0xFFFFFF60];
	[tilespmem:s31+$0xFFFFFFD0] =	vst v24;
	v24 =	vadd.f32 v25, v22;
	v25 =	vmul.f32 v28, v19  }
0xe1: {  	v28 =	vld [tilespmem:s30+$0xFFFFFFE0];
	[tilespmem:s31+$0xD0] =	vst v10;
	v10 =	vadd.f32 v12, v18;
	v12 =	vmul.f32 v27, v17  }
0xe2: {  	v27 =	vmul.f32 v30, v0;
	v30 =	vld [tilespmem:s30+$0xE0];
	[tilespmem:s0+$0x50] =	vst v24;
	v24 =	vadd.f32 v25, v21  }
0xe3: {  	v5 =	vmul.f32 v31, v5;
	[tilespmem:s0+$0xFFFFFF50] =	vst v10;
	v10 =	vadd.f32 v12, v16;
	v25 =	vld [tilespmem:s3+$0x60]  }
0xe4: {  	v12 =	vadd.f32 v27, v1;
	v26 =	vmul.f32 v26, v15;
	v27 =	vld [tilespmem:s3+$0xFFFFFF60];
	[tilespmem:s0+$0xFFFFFFD0] =	vst v24  }
0xe5: {  	v4 =	vadd.f32 v5, v4;
	v5 =	vmul.f32 v29, v13;
	[tilespmem:s0+$0xD0] =	vst v10;
	v24 =	vld [tilespmem:s3+$0xFFFFFFE0]  }
0xe6: {  	[tilespmem:s28+$0xE0] =	vst v12;
	v10 =	vadd.f32 v26, v14;
	v12 =	vmul.f32 v28, v11;
	v26 =	vld [tilespmem:s3+$0xE0]  }
0xe7: {  	[tilespmem:s28+$0xFFFFFF70] =	vst v4;
	v28 =	vld [tilespmem:s29+$0xFFFFFFF0];
	v4 =	vadd.f32 v5, v8;
	v5 =	vmul.f32 v30, v7  }
0xe8: {  	v29 =	vld [tilespmem:s29+$0xF0];
	[tilespmem:s31+$0x60] =	vst v10;
	v10 =	vadd.f32 v12, v9;
	v12 =	vmul.f32 v25, v23  }
0xe9: {  	v25 =	vld [tilespmem:s30+$0x70];
	[tilespmem:s31+$0xFFFFFF60] =	vst v4;
	v4 =	vadd.f32 v5, v6;
	v5 =	vmul.f32 v27, v20  }
0xea: {  	v27 =	vld [tilespmem:s30+$0xFFFFFF70];
	[tilespmem:s31+$0xFFFFFFE0] =	vst v10;
	v10 =	vadd.f32 v12, v22;
	v12 =	vmul.f32 v24, v19  }
0xeb: {  	v24 =	vld [tilespmem:s30+$0xFFFFFFF0];
	[tilespmem:s31+$0xE0] =	vst v4;
	v4 =	vadd.f32 v5, v18;
	v5 =	vmul.f32 v26, v17  }
0xec: {  	v3 =	vmul.f32 v28, v3;
	v26 =	vld [tilespmem:s30+$0xF0];
	[tilespmem:s0+$0x60] =	vst v10;
	v10 =	vadd.f32 v12, v21  }
0xed: {  	v0 =	vmul.f32 v29, v0;
	[tilespmem:s0+$0xFFFFFF60] =	vst v4;
	v4 =	vadd.f32 v5, v16;
	v12 =	vld [tilespmem:s3+$0x70]  }
0xee: {  	v2 =	vadd.f32 v3, v2;
	v3 =	vmul.f32 v25, v15;
	v5 =	vld [tilespmem:s3+$0xFFFFFF70];
	[tilespmem:s0+$0xFFFFFFE0] =	vst v10  }
0xef: {  	v0 =	vadd.f32 v0, v1;
	v1 =	vmul.f32 v27, v13;
	[tilespmem:s0+$0xE0] =	vst v4;
	v10 =	vld [tilespmem:s3+$0xFFFFFFF0]  }
0xf0: {  	[tilespmem:s28+$0xFFFFFFF0] =	vst v2;
	v2 =	vadd.f32 v3, v14;
	v3 =	vmul.f32 v24, v11;
	v4 =	vld [tilespmem:s3+$0xF0]  }
0xf1: {  	[tilespmem:s28+$0xF0] =	vst v0;
	v0 =	vadd.f32 v1, v8;
	v1 =	vmul.f32 v26, v7  }
0xf2: {  	[tilespmem:s31+$0x70] =	vst v2;
	v2 =	vadd.f32 v3, v9;
	v3 =	vmul.f32 v12, v23  }
0xf3: {  	[tilespmem:s31+$0xFFFFFF70] =	vst v0;
	v0 =	vadd.f32 v1, v6;
	v1 =	vmul.f32 v5, v20  }
0xf4: {  	[tilespmem:s31+$0xFFFFFFF0] =	vst v2;
	v2 =	vadd.f32 v3, v22;
	v3 =	vmul.f32 v10, v19  }
0xf5: {  	[tilespmem:s31+$0xF0] =	vst v0;
	v0 =	vadd.f32 v1, v18;
	v1 =	vmul.f32 v4, v17  }
0xf6: {  	[tilespmem:s0+$0x70] =	vst v2;
	v2 =	vadd.f32 v3, v21  }
0xf7: {  	[tilespmem:s0+$0xFFFFFF70] =	vst v0;
	v0 =	vadd.f32 v1, v16  }
0xf8: {  	[tilespmem:s0+$0xFFFFFFF0] =	vst v2  }
0xf9: {  	s31 =	simm.s32 $0x0;
	[tilespmem:s0+$0xF0] =	vst v0  }
0xfa: {  	[hbm4b:s8+s31] =	stream.linear.scatter [tilespmem:s21], [sflag:$0x3], $0x4000, $0x38;
	[tilespmem:$0x10300] =	vst v63  }
0xfb: {  	_ = 	snop  }
0xfc: {  	[tilespmem:s18], [sflag:$0x1] =	stream.linear.gather [hbm4b:s9+s31], $0x4000, $0x38;
	[tilespmem:$0x10300] =	vst v63  }
0xfd: {  	_ =	swait.ge [sflag:s22], $0x4000  }
0xfe: {  	[sflag:s22] =	ssyncset.done $0x0  }
0xff: {  	s28 =	simm.s32 $0x0;
	[sflag:s22] =	ssyncadd.s32 $0xFFFFC000  }
0x100: {  	s3 =	simm.s32 $0x80;
	v12 =	vld [tilespmem:s28+$0x4300]  }
0x101: {  	s29 =	simm.s32 $0x81;
	v1 =	vmov s3;
	v0 =	vld [tilespmem:s28+$0x44D0]  }
0x102: {  	v1 =	vand.u32 $0xFFFFFFFC, v1;
	v2 =	vmov s29;
	v14 =	vld [tilespmem:s28+$0x4370]  }
0x103: {  	v4 =	vbroadcast v1, $0x0;
	v1 =	vand.u32 $0xFFFFFFFD, v2;
	v17 =	vld [tilespmem:s28+$0x4350]  }
0x104: {  	v2 =	vbroadcast v1, $0x0;
	v1 =	vld [tilespmem:s28+$0x44A0]  }
0x105: {  	v20 =	vld [tilespmem:s28+$0x43E0]  }
0x106: {  	v19 =	vld [tilespmem:s28+$0x4340]  }
0x107: {  	v3 =	vld [tilespmem:s28+$0x4490]  }
0x108: {  	v21 =	vld [tilespmem:s28+$0x4360]  }
0x109: {  	v4 =	vld.idx.msk [tilespmem:v4+s4+$0x0], $0xffff  }
0x10a: {  	v7 =	vld [tilespmem:s28+$0x44F0]  }
0x10b: {  	v22 =	vld [tilespmem:s28+$0x4400]  }
0x10c: {  	v23 =	vld [tilespmem:s28+$0x4320]  }
0x10d: {  	v25 =	vld [tilespmem:s28+$0x4410]  }
0x10e: {  	v16 =	vld [tilespmem:s28+$0x44B0]  }
0x10f: {  	s30 =	simm.s32 $0x82;
	v8 =	vld [tilespmem:s28+$0x4480]  }
0x110: {  	v5 =	vmov s30;
	v18 =	vld [tilespmem:s28+$0x43C0]  }
0x111: {  	v5 =	vand.u32 $0xFFFFFFFE, v5;
	s31 =	simm.s32 $0x83;
	v15 =	vld [tilespmem:s28+$0x43A0]  }
0x112: {  	v5 =	vbroadcast v5, $0x0;
	v6 =	vmov s31;
	v26 =	vld [tilespmem:s28+$0x43F0]  }
0x113: {  	v28 =	vld [tilespmem:s28+$0x4310]  }
0x114: {  	v29 =	vld [tilespmem:s28+$0x4330]  }
0x115: {  	v35 =	vld [tilespmem:s28+$0x4390]  }
0x116: {  	v9 =	vld.idx.msk [tilespmem:v2+s4+$0x0], $0xffff  }
0x117: {  	v24 =	vld.idx.msk [tilespmem:v6+s4+$0x0], $0xffff  }
0x118: {  	v6 =	vld.idx.msk [tilespmem:v5+s4+$0x0], $0xffff  }
0x119: {  	v31 =	vld [tilespmem:s28+$0x4430]  }
0x11a: {  	v63 =	vld [tilespmem:s28+$0x4380]  }
0x11b: {  	v27 =	vld.idx.msk [tilespmem:v4+s17+$0x0], $0xffff  }
0x11c: {  	v37 =	vld [tilespmem:s28+$0x43B0]  }
0x11d: {  	v2 =	vld [tilespmem:s28+$0x44E0]  }
0x11e: {  	v11 =	vld.idx.msk [tilespmem:v4+s16+$0x0], $0xffff  }
0x11f: {  	v13 =	vld.idx.msk [tilespmem:v9+s17+$0x0], $0xffff  }
0x120: {  	v10 =	vld.idx.msk [tilespmem:v6+s17+$0x0], $0xffff;
	v23 =	vmul.f32 v23, v27;
	v30 =	vmul.f32 v19, v27  }
0x121: {  	v5 =	vld [tilespmem:s28+$0x4470];
	v21 =	vmul.f32 v21, v27;
	v12 =	vmul.f32 v12, v27  }
0x122: {  	v4 =	vld.idx.msk [tilespmem:v9+s16+$0x0], $0xffff;
	v19 =	vmul.f32 v17, v27;
	v17 =	vmul.f32 v28, v27  }
0x123: {  	v9 =	vld [tilespmem:s28+$0x44C0];
	v38 =	vmul.f32 v14, v27;
	v14 =	vmul.f32 v29, v27  }
0x124: {  	v6 =	vld.idx.msk [tilespmem:v6+s16+$0x0], $0xffff;
	v62 =	vmul.f32 v26, v13;
	v27 =	vmul.f32 v35, v13  }
0x125: {  	v36 =	vadd.f32 v23, v11;
	v26 =	vmul.f32 v22, v10;
	v22 =	vadd.f32 v21, v11;
	v21 =	vld [tilespmem:s28+$0x43D0]  }
0x126: {  	v29 =	vld [tilespmem:s28+$0x4460];
	v23 =	vmul.f32 v20, v13;
	v33 =	vadd.f32 v17, v11;
	v32 =	vadd.f32 v14, v11  }
0x127: {  	v17 =	vld.idx.msk [tilespmem:v24+s17+$0x0], $0xffff;
	v30 =	vadd.f32 v30, v11;
	v20 =	vmul.f32 v31, v10;
	v39 =	vadd.f32 v62, v4  }
0x128: {  	v14 =	vld.idx.msk [tilespmem:v24+s16+$0x0], $0xffff;
	v28 =	vadd.f32 v12, v11;
	v12 =	vmul.f32 v63, v13;
	[tilespmem:s28+$0xC320] =	vst v36  }
0x129: {  	s3 =	simm.s32 $0x800;
	s0 =	simm.s32 $0x0;
	v31 =	vmul.f32 v25, v10;
	v34 =	vadd.f32 v38, v11;
	v24 =	vmul.f32 v37, v13;
	v25 =	vld [tilespmem:s28+$0x4420];
	[tilespmem:s28+$0xC3F0] =	vst v39  }
.LBB2_4:
0x12a: {  	s29 =	sadd.s32 $0x84, s0;
	s30 =	sadd.s32 $0x85, s0;
	s31 =	sadd.s32 $0x86, s0;
	[tilespmem:s28+$0xC310] =	vst v33;
	v18 =	vmul.f32 v18, v13;
	v33 =	vmul.f32 v21, v13;
	v35 =	vld [tilespmem:s28+$0x4450]  }
0x12b: {  	v21 =	vmov s29;
	s29 =	sshra.s32 s3, $0x2;
	v36 =	vmov s30;
	v37 =	vmov s31;
	s30 =	sadd.s32 $0x87, s0;
	s0 =	sadd.s32 $0x4, s0;
	[tilespmem:s28+$0xC330] =	vst v32;
	v32 =	vld [tilespmem:s28+$0x4440]  }
0x12c: {  	v16 =	vmul.f32 v16, v17;
	v38 =	vand.u32 $0xFFFFFFFC, v21;
	v21 =	vld [tilespmem:s29+$0x4300];
	v37 =	vand.u32 $0xFFFFFFFE, v37;
	p0 =	slt.u32 s0, $0x7C;
	[tilespmem:s28+$0xC360] =	vst v22  }
0x12d: {  	v7 =	vmul.f32 v7, v17;
	v36 =	vand.u32 $0xFFFFFFFD, v36;
	v38 =	vbroadcast v38, $0x0;
	v39 =	vld [tilespmem:s29+$0x44D0];
	[tilespmem:s28+$0xC370] =	vst v34  }
0x12e: {  	v33 =	vadd.f32 v33, v4;
	v34 =	vbroadcast v36, $0x0;
	v36 =	vadd.f32 v24, v4;
	v22 =	vld [tilespmem:s29+$0x4370]  }
0x12f: {  	v37 =	vbroadcast v37, $0x0;
	v24 =	vld [tilespmem:s29+$0x4350];
	[tilespmem:s28+$0xC340] =	vst v30;
	v30 =	vadd.f32 v31, v6;
	v31 =	vmul.f32 v35, v10  }
0x130: {  	v7 =	vadd.f32 v7, v14;
	v35 =	vld [tilespmem:s29+$0x44A0];
	[tilespmem:s28+$0xC3D0] =	vst v33;
	v33 =	vmul.f32 v25, v10;
	v32 =	vmul.f32 v32, v10  }
0x131: {  	v26 =	vadd.f32 v26, v6;
	v20 =	vadd.f32 v20, v6;
	v29 =	vmul.f32 v29, v10;
	v25 =	vld [tilespmem:s29+$0x43E0];
	[tilespmem:s28+$0xC410] =	vst v30  }
0x132: {  	v5 =	vmul.f32 v5, v10;
	v31 =	vadd.f32 v31, v6;
	v30 =	vld [tilespmem:s29+$0x4340];
	[tilespmem:s28+$0xC300] =	vst v28;
	v28 =	vadd.f32 v32, v6  }
0x133: {  	v13 =	vmul.f32 v15, v13;
	v27 =	vadd.f32 v27, v4;
	v15 =	vadd.f32 v29, v6;
	v10 =	vld [tilespmem:s29+$0x4490];
	[tilespmem:s28+$0xC400] =	vst v26  }
0x134: {  	v23 =	vadd.f32 v23, v4;
	v29 =	vadd.f32 v5, v6;
	v5 =	vmul.f32 v8, v17;
	v26 =	vld [tilespmem:s29+$0x4360];
	[tilespmem:s28+$0xC4F0] =	vst v7  }
0x135: {  	v11 =	vadd.f32 v19, v11;
	v13 =	vadd.f32 v13, v4;
	v8 =	vmov s30;
	v32 =	vld.idx.msk [tilespmem:v38+s4+$0x0], $0xffff;
	[tilespmem:s28+$0xC460] =	vst v15  }
0x136: {  	v3 =	vmul.f32 v3, v17;
	v6 =	vadd.f32 v33, v6;
	v19 =	vld.idx.msk [tilespmem:v34+s4+$0x0], $0xffff;
	[tilespmem:s28+$0xC3E0] =	vst v23  }
0x137: {  	v9 =	vmul.f32 v9, v17;
	v5 =	vadd.f32 v5, v14;
	v15 =	vmul.f32 v1, v17;
	v7 =	vld [tilespmem:s29+$0x44F0];
	[tilespmem:s28+$0xC350] =	vst v11  }
0x138: {  	v34 =	vmul.f32 v0, v17;
	v11 =	vadd.f32 v3, v14;
	[tilespmem:s28+$0xC3A0] =	vst v13;
	v13 =	vmul.f32 v2, v17;
	v2 =	vld [tilespmem:s29+$0x44E0]  }
0x139: {  	v9 =	vadd.f32 v9, v14;
	v1 =	vmovc v35;
	v0 =	vmov v39;
	v23 =	vadd.f32 v15, v14;
	v17 =	vld [tilespmem:s29+$0x4400];
	[tilespmem:s28+$0xC480] =	vst v5  }
0x13a: {  	v3 =	vmov v10;
	v33 =	vld [tilespmem:s29+$0x4320];
	[tilespmem:s28+$0xC390] =	vst v27;
	v27 =	vadd.f32 v34, v14;
	v5 =	vadd.f32 v13, v14  }
0x13b: {  	v10 =	vadd.f32 v16, v14;
	v34 =	vld.idx.msk [tilespmem:v8+s4+$0x0], $0xffff;
	v8 =	vadd.f32 v18, v4;
	[tilespmem:s28+$0xC450] =	vst v31  }
0x13c: {  	v14 =	vld.idx.msk [tilespmem:v37+s4+$0x0], $0xffff;
	[tilespmem:s28+$0xC4E0] =	vst v5  }
0x13d: {  	v12 =	vadd.f32 v12, v4;
	v31 =	vld [tilespmem:s29+$0x4410];
	[tilespmem:s28+$0xC4B0] =	vst v10  }
0x13e: {  	v16 =	vld [tilespmem:s29+$0x44B0];
	[tilespmem:s28+$0xC3C0] =	vst v8  }
0x13f: {  	v5 =	vld [tilespmem:s29+$0x4470];
	[tilespmem:s28+$0xC490] =	vst v11  }
0x140: {  	v8 =	vld [tilespmem:s29+$0x4480];
	[tilespmem:s28+$0xC3B0] =	vst v36  }
0x141: {  	v18 =	vld [tilespmem:s29+$0x43C0];
	[tilespmem:s28+$0xC4C0] =	vst v9  }
0x142: {  	v15 =	vld [tilespmem:s29+$0x43A0];
	[tilespmem:s28+$0xC470] =	vst v29  }
0x143: {  	v29 =	vld [tilespmem:s29+$0x43F0];
	[tilespmem:s28+$0xC440] =	vst v28  }
0x144: {  	v28 =	vld.idx.msk [tilespmem:v32+s17+$0x0], $0xffff;
	[tilespmem:s28+$0xC4A0] =	vst v23  }
0x145: {  	v11 =	vld.idx.msk [tilespmem:v32+s16+$0x0], $0xffff;
	[tilespmem:s28+$0xC430] =	vst v20  }
0x146: {  	v13 =	vld.idx.msk [tilespmem:v19+s17+$0x0], $0xffff;
	[tilespmem:s28+$0xC420] =	vst v6  }
0x147: {  	v4 =	vld.idx.msk [tilespmem:v19+s16+$0x0], $0xffff;
	[tilespmem:s28+$0xC4D0] =	vst v27  }
0x148: {  	v10 =	vld.idx.msk [tilespmem:v14+s17+$0x0], $0xffff;
	[tilespmem:s28+$0xC380] =	vst v12;
	s28 =	smov.u32 s29  }
0x149: {  	v6 =	vld.idx.msk [tilespmem:v14+s16+$0x0], $0xffff  }
0x14a: {  	v12 =	vmul.f32 v33, v28;
	v9 =	vld [tilespmem:s28+$0x44C0]  }
0x14b: {  	v20 =	vmul.f32 v30, v28;
	v27 =	vmul.f32 v26, v28;
	v14 =	vld [tilespmem:s28+$0x4310]  }
0x14c: {  	v35 =	vmul.f32 v21, v28;
	v12 =	vadd.f32 v12, v11;
	v21 =	vld [tilespmem:s28+$0x4330]  }
0x14d: {  	v29 =	vmul.f32 v29, v13;
	v36 =	vld [tilespmem:s28+$0x4390]  }
0x14e: {  	v19 =	vmul.f32 v24, v28;
	v26 =	vmul.f32 v17, v10;
	v24 =	vld [tilespmem:s28+$0x4430]  }
0x14f: {  	v37 =	vmul.f32 v22, v28;
	v38 =	vld [tilespmem:s28+$0x4380]  }
0x150: {  	v23 =	vmul.f32 v25, v13;
	v14 =	vmul.f32 v14, v28;
	v39 =	vld [tilespmem:s28+$0x43B0]  }
.Ltmp1:
0x151: {  	v22 =	vadd.f32 v27, v11;
	v25 =	vmul.f32 v21, v28;
	v21 =	vld [tilespmem:s28+$0x43D0];
	(pc) =	sbr.rel @p0 .LBB2_4-.Ltmp1, $4  }
0x152: {  	v40 =	vadd.f32 v29, v4;
	v33 =	vadd.f32 v14, v11;
	v17 =	vld.idx.msk [tilespmem:v34+s17+$0x0], $0xffff  }
0x153: {  	v30 =	vadd.f32 v20, v11;
	v32 =	vadd.f32 v25, v11;
	v20 =	vmul.f32 v24, v10;
	v14 =	vld.idx.msk [tilespmem:v34+s16+$0x0], $0xffff  }
0x154: {  	v31 =	vmul.f32 v31, v10;
	v28 =	vadd.f32 v35, v11;
	[tilespmem:s28+$0xC320] =	vst v12;
	v12 =	vmul.f32 v38, v13;
	v29 =	vld [tilespmem:s28+$0x4460]  }
0x155: {  	s3 =	sadd.s32 $0x800, s3;
	v27 =	vmul.f32 v36, v13;
	v34 =	vadd.f32 v37, v11;
	v24 =	vmul.f32 v39, v13;
	[tilespmem:s28+$0xC3F0] =	vst v40;
	v25 =	vld [tilespmem:s28+$0x4420]  }
0x156: {  	[tilespmem:s28+$0xC310] =	vst v33  }
0x157: {  	[tilespmem:s28+$0xC330] =	vst v32  }
0x158: {  	[tilespmem:s28+$0xC360] =	vst v22  }
0x159: {  	[tilespmem:s28+$0xC340] =	vst v30  }
0x15a: {  	v48 =	vadd.f32 v31, v6;
	[tilespmem:s28+$0xC300] =	vst v28  }
0x15b: {  	v21 =	vmul.f32 v21, v13;
	v50 =	vadd.f32 v26, v6;
	[tilespmem:s28+$0xC370] =	vst v34  }
0x15c: {  	v23 =	vadd.f32 v23, v4;
	v7 =	vmul.f32 v7, v17;
	[tilespmem:s28+$0xC410] =	vst v48  }
0x15d: {  	v2 =	vmul.f32 v2, v17;
	v21 =	vadd.f32 v21, v4;
	[tilespmem:s28+$0xC400] =	vst v50  }
0x15e: {  	v3 =	vmul.f32 v3, v17;
	[tilespmem:s28+$0xC3E0] =	vst v23;
	v7 =	vadd.f32 v7, v14  }
0x15f: {  	v1 =	vmul.f32 v1, v17;
	v2 =	vadd.f32 v2, v14;
	[tilespmem:s28+$0xC3D0] =	vst v21  }
0x160: {  	v0 =	vmul.f32 v0, v17;
	v3 =	vadd.f32 v3, v14;
	[tilespmem:s28+$0xC4F0] =	vst v7  }
0x161: {  	v51 =	vmul.f32 v29, v10;
	v1 =	vadd.f32 v1, v14;
	[tilespmem:s28+$0xC4E0] =	vst v2  }
0x162: {  	v0 =	vadd.f32 v0, v14;
	[tilespmem:s28+$0xC490] =	vst v3  }
0x163: {  	v47 =	vld [tilespmem:s28+$0x4450];
	v15 =	vmul.f32 v15, v13;
	v52 =	vadd.f32 v51, v6;
	[tilespmem:s28+$0xC4A0] =	vst v1  }
0x164: {  	v5 =	vmul.f32 v5, v10;
	v7 =	vmul.f32 v8, v17;
	v8 =	vadd.f32 v19, v11;
	[tilespmem:s28+$0xC4D0] =	vst v0  }
0x165: {  	v11 =	vadd.f32 v15, v4;
	[tilespmem:s28+$0xC460] =	vst v52  }
0x166: {  	v3 =	vadd.f32 v5, v6;
	[tilespmem:s28+$0xC350] =	vst v8  }
0x167: {  	v1 =	vadd.f32 v12, v4;
	[tilespmem:s28+$0xC3A0] =	vst v11  }
0x168: {  	v15 =	vmul.f32 v47, v10;
	v7 =	vadd.f32 v7, v14;
	[tilespmem:s28+$0xC470] =	vst v3  }
0x169: {  	v2 =	vmul.f32 v9, v17;
	v8 =	vadd.f32 v27, v4;
	[tilespmem:s28+$0xC380] =	vst v1  }
0x16a: {  	v49 =	vld [tilespmem:s28+$0x4440];
	v11 =	vmul.f32 v16, v17;
	v15 =	vadd.f32 v15, v6;
	[tilespmem:s28+$0xC480] =	vst v7  }
0x16b: {  	v2 =	vadd.f32 v2, v14;
	v7 =	vmul.f32 v18, v13;
	[tilespmem:s28+$0xC390] =	vst v8  }
0x16c: {  	[tilespmem:s28+$0xC450] =	vst v15;
	v8 =	vadd.f32 v11, v14  }
0x16d: {  	[tilespmem:s28+$0xC4C0] =	vst v2;
	v7 =	vadd.f32 v7, v4  }
0x16e: {  	v3 =	vadd.f32 v20, v6;
	v2 =	vmul.f32 v25, v10;
	[tilespmem:s28+$0xC4B0] =	vst v8  }
0x16f: {  	v8 =	vadd.f32 v24, v4;
	[tilespmem:s28+$0xC3C0] =	vst v7;
	v7 =	vmul.f32 v49, v10  }
0x170: {  	[tilespmem:s28+$0xC430] =	vst v3;
	v2 =	vadd.f32 v2, v6  }
0x171: {  	[tilespmem:s28+$0xC3B0] =	vst v8;
	v5 =	vadd.f32 v7, v6  }
0x172: {  	[tilespmem:s28+$0xC420] =	vst v2  }
0x173: {  	s0 =	simm.s32 $0x100;
	[tilespmem:s28+$0xC440] =	vst v5  }
0x174: {  	[hbm4b:s10+s4] =	stream.linear.scatter [tilespmem:s23], [sflag:$0x4], $0x4000, $0x38;
	[tilespmem:$0x10300] =	vst v63  }
0x175: {  	s3 =	simm.s32 $0x102;
	v0 =	vmov s0  }
0x176: {  	v0 =	vand.u32 $0xFFFFFFFC, v0;
	v1 =	vmov s3;
	[tilespmem:s19], [sflag:$0x2] =	stream.linear.gather [hbm4b:s11+s4], $0x4000, $0x38;
	[tilespmem:$0x10300] =	vst v63  }
0x177: {  	v0 =	vbroadcast v0, $0x0;
	v1 =	vand.u32 $0xFFFFFFFE, v1;
	_ =	swait.ge [sflag:s20], $0x4000  }
0x178: {  	v1 =	vbroadcast v1, $0x0;
	[sflag:s20] =	ssyncset.done $0x0  }
0x179: {  	[sflag:s20] =	ssyncadd.s32 $0xFFFFC000  }
0x17a: {  	s0 =	simm.s32 $0x101;
	_ =	swait.ge [sflag:s24], $0x4000  }
0x17b: {  	v2 =	vmov s0;
	[sflag:s24] =	ssyncset.done $0x0  }
0x17c: {  	s3 =	simm.s32 $0x103;
	v2 =	vand.u32 $0xFFFFFFFD, v2;
	[sflag:s24] =	ssyncadd.s32 $0xFFFFC000  }
0x17d: {  	v3 =	vmov s3;
	v2 =	vbroadcast v2, $0x0;
	v0 =	vld.idx.msk [tilespmem:v0+s4+$0x0], $0xffff  }
0x17e: {  	v1 =	vld.idx.msk [tilespmem:v1+s4+$0x0], $0xffff;
	_ =	sdelay $0x3  }
0x17f: {  	v3 =	vld.idx.msk [tilespmem:v3+s4+$0x0], $0xffff  }
0x180: {  	s0 =	simm.s32 $0x400;
	v2 =	vld.idx.msk [tilespmem:v2+s4+$0x0], $0xffff  }
0x181: {  	v4 =	vld [tilespmem:s0+$0x0]  }
0x182: {  	v11 =	vld.idx.msk [tilespmem:v0+s17+$0x0], $0xffff  }
0x183: {  	v18 =	vld.idx.msk [tilespmem:v1+s17+$0x0], $0xffff  }
0x184: {  	v13 =	vld.idx.msk [tilespmem:v1+s16+$0x0], $0xffff  }
0x185: {  	v1 =	vld [tilespmem:s0+$0xFFFFFF00]  }
0x186: {  	v5 =	vld [tilespmem:s0+$0x80]  }
0x187: {  	v12 =	vld.idx.msk [tilespmem:v0+s16+$0x0], $0xffff  }
0x188: {  	v14 =	vld.idx.msk [tilespmem:v3+s17+$0x0], $0xffff;
	v0 =	vmul.f32 v4, v18  }
0x189: {  	v17 =	vld.idx.msk [tilespmem:v2+s17+$0x0], $0xffff  }
0x18a: {  	v4 =	vld [tilespmem:s0+$0xFFFFFF80];
	v1 =	vmul.f32 v1, v11;
	v0 =	vadd.f32 v0, v13  }
0x18b: {  	s28 =	simm.s32 $0x8400;
	v15 =	vld.idx.msk [tilespmem:v3+s16+$0x0], $0xffff  }
0x18c: {  	v16 =	vld.idx.msk [tilespmem:v2+s16+$0x0], $0xffff;
	v1 =	vadd.f32 v1, v12;
	[tilespmem:s28+$0x0] =	vst v0  }
0x18d: {  	v0 =	vld [tilespmem:s0+$0x10]  }
0x18e: {  	[tilespmem:s28+$0xFFFFFF00] =	vst v1;
	v1 =	vmul.f32 v5, v14  }
0x18f: {  	v2 =	vmul.f32 v4, v17;
	v3 =	vld [tilespmem:s0+$0xFFFFFF10]  }
0x190: {  	v1 =	vadd.f32 v1, v15  }
0x191: {  	v2 =	vadd.f32 v2, v16  }
0x192: {  	[tilespmem:s28+$0x80] =	vst v1;
	v0 =	vmul.f32 v0, v18  }
0x193: {  	s3 =	simm.s32 $0x104;
	[tilespmem:s28+$0xFFFFFF80] =	vst v2;
	v4 =	vld [tilespmem:s0+$0x90]  }
0x194: {  	v1 =	vmov s3;
	s3 =	simm.s32 $0x107;
	v2 =	vld [tilespmem:s0+$0xFFFFFF90];
	v3 =	vmul.f32 v3, v11;
	v0 =	vadd.f32 v0, v13  }
0x195: {  	v1 =	vand.u32 $0xFFFFFFFC, v1;
	v5 =	vmov s3  }
0x196: {  	v1 =	vbroadcast v1, $0x0;
	v3 =	vadd.f32 v3, v12;
	[tilespmem:s28+$0x10] =	vst v0  }
0x197: {  	s3 =	simm.s32 $0x105;
	v0 =	vld [tilespmem:s0+$0x20]  }
0x198: {  	v6 =	vmov s3;
	[tilespmem:s28+$0xFFFFFF10] =	vst v3;
	v4 =	vmul.f32 v4, v14  }
0x199: {  	v3 =	vand.u32 $0xFFFFFFFD, v6;
	v2 =	vmul.f32 v2, v17;
	v6 =	vld [tilespmem:s0+$0xFFFFFF20]  }
0x19a: {  	v5 =	vld.idx.msk [tilespmem:v5+s4+$0x0], $0xffff;
	v3 =	vbroadcast v3, $0x0;
	v4 =	vadd.f32 v4, v15  }
0x19b: {  	v2 =	vadd.f32 v2, v16  }
0x19c: {  	v7 =	vld.idx.msk [tilespmem:v1+s4+$0x0], $0xffff;
	[tilespmem:s28+$0x90] =	vst v4;
	v0 =	vmul.f32 v0, v18  }
0x19d: {  	s29 =	simm.s32 $0x600;
	s3 =	simm.s32 $0x106;
	[tilespmem:s28+$0xFFFFFF90] =	vst v2;
	v2 =	vld [tilespmem:s0+$0xA0]  }
0x19e: {  	v53 =	vld [tilespmem:s29+$0x0];
	v4 =	vmov s3;
	v6 =	vmul.f32 v6, v11;
	v0 =	vadd.f32 v0, v13  }
0x19f: {  	v4 =	vand.u32 $0xFFFFFFFE, v4;
	v1 =	vld [tilespmem:s0+$0xFFFFFFA0]  }
0x1a0: {  	v8 =	vld.idx.msk [tilespmem:v3+s4+$0x0], $0xffff;
	v3 =	vbroadcast v4, $0x0;
	v4 =	vadd.f32 v6, v12;
	[tilespmem:s28+$0x20] =	vst v0  }
0x1a1: {  	v6 =	vld [tilespmem:s0+$0x30]  }
0x1a2: {  	v0 =	vld.idx.msk [tilespmem:v5+s16+$0x0], $0xffff;
	[tilespmem:s28+$0xFFFFFF20] =	vst v4;
	v4 =	vmul.f32 v2, v14  }
0x1a3: {  	v10 =	vld [tilespmem:s0+$0xFFFFFF30]  }
0x1a4: {  	v2 =	vld.idx.msk [tilespmem:v7+s16+$0x0], $0xffff;
	v9 =	vmul.f32 v1, v17;
	v4 =	vadd.f32 v4, v15  }
0x1a5: {  	v1 =	vld.idx.msk [tilespmem:v5+s17+$0x0], $0xffff  }
0x1a6: {  	v5 =	vadd.f32 v9, v16;
	v9 =	vld.idx.msk [tilespmem:v3+s4+$0x0], $0xffff;
	[tilespmem:s28+$0xA0] =	vst v4;
	v3 =	vmul.f32 v6, v18  }
0x1a7: {  	v19 =	vld [tilespmem:s0+$0xB0]  }
0x1a8: {  	[tilespmem:s28+$0xFFFFFFA0] =	vst v5;
	v5 =	vld.idx.msk [tilespmem:v7+s17+$0x0], $0xffff;
	v4 =	vmul.f32 v10, v11;
	v10 =	vadd.f32 v3, v13  }
0x1a9: {  	v6 =	vld [tilespmem:s0+$0xFFFFFFB0]  }
0x1aa: {  	v3 =	vld.idx.msk [tilespmem:v8+s16+$0x0], $0xffff;
	v7 =	vadd.f32 v4, v12;
	[tilespmem:s28+$0x30] =	vst v10  }
0x1ab: {  	v10 =	vld [tilespmem:s0+$0x40]  }
0x1ac: {  	v4 =	vld.idx.msk [tilespmem:v8+s17+$0x0], $0xffff;
	[tilespmem:s28+$0xFFFFFF30] =	vst v7  }
0x1ad: {  	v8 =	vld [tilespmem:s0+$0xFFFFFF40]  }
0x1ae: {  	v55 =	vld [tilespmem:s29+$0xFFFFFF80]  }
0x1af: {  	v7 =	vld.idx.msk [tilespmem:v9+s17+$0x0], $0xffff;
	v20 =	vmul.f32 v6, v17  }
0x1b0: {  	v6 =	vld.idx.msk [tilespmem:v9+s16+$0x0], $0xffff;
	v9 =	vmul.f32 v10, v18  }
0x1b1: {  	s3 =	simm.s32 $0x108;
	v10 =	vmul.f32 v19, v14;
	v19 =	vadd.f32 v20, v16;
	v20 =	vld [tilespmem:s29+$0xFFFFFF00]  }
0x1b2: {  	v54 =	vmov s3;
	s3 =	simm.s32 $0x10B;
	v8 =	vmul.f32 v8, v11;
	v9 =	vadd.f32 v9, v13  }
0x1b3: {  	v57 =	vld [tilespmem:s29+$0x80];
	v56 =	vmov s3;
	v10 =	vadd.f32 v10, v15;
	[tilespmem:s28+$0xFFFFFFB0] =	vst v19  }
0x1b4: {  	v21 =	vmul.f32 v53, v7;
	v8 =	vadd.f32 v8, v12;
	v58 =	vld [tilespmem:s0+$0xFFFFFFC0];
	[tilespmem:s28+$0x40] =	vst v9  }
0x1b5: {  	v59 =	vmul.f32 v55, v4;
	v19 =	vand.u32 $0xFFFFFFFC, v54;
	[tilespmem:s28+$0xB0] =	vst v10;
	v9 =	vld [tilespmem:s0+$0x50]  }
0x1b6: {  	v19 =	vbroadcast v19, $0x0;
	[tilespmem:s28+$0xFFFFFF40] =	vst v8;
	v10 =	vmul.f32 v20, v5;
	v20 =	vadd.f32 v21, v6;
	v8 =	vld [tilespmem:s0+$0xC0]  }
0x1b7: {  	s30 =	simm.s32 $0x8600;
	v60 =	vld [tilespmem:s0+$0xFFFFFF50];
	v21 =	vadd.f32 v59, v3  }
0x1b8: {  	v22 =	vld.idx.msk [tilespmem:v56+s4+$0x0], $0xffff;
	v10 =	vadd.f32 v10, v2;
	[tilespmem:s30+$0x0] =	vst v20;
	v20 =	vmul.f32 v57, v1  }
0x1b9: {  	s3 =	simm.s32 $0x109;
	[tilespmem:s30+$0xFFFFFF80] =	vst v21;
	v61 =	vld [tilespmem:s29+$0x10];
	v25 =	vmul.f32 v58, v17  }
0x1ba: {  	v62 =	vmov s3;
	v29 =	vld [tilespmem:s29+$0xFFFFFF90];
	[tilespmem:s30+$0xFFFFFF00] =	vst v10;
	v10 =	vadd.f32 v20, v0;
	v9 =	vmul.f32 v9, v18  }
0x1bb: {  	v20 =	vand.u32 $0xFFFFFFFD, v62;
	v63 =	vld [tilespmem:s29+$0xFFFFFF10];
	v28 =	vadd.f32 v25, v16;
	v8 =	vmul.f32 v8, v14  }
0x1bc: {  	v19 =	vld.idx.msk [tilespmem:v19+s4+$0x0], $0xffff;
	v20 =	vbroadcast v20, $0x0;
	[tilespmem:s30+$0x80] =	vst v10;
	v10 =	vmul.f32 v60, v11;
	v9 =	vadd.f32 v9, v13  }
0x1bd: {  	v30 =	vld [tilespmem:s29+$0x90];
	[tilespmem:s28+$0xFFFFFFC0] =	vst v28;
	v8 =	vadd.f32 v8, v15  }
0x1be: {  	v31 =	vmul.f32 v61, v7;
	v10 =	vadd.f32 v10, v12;
	v32 =	vld [tilespmem:s0+$0xFFFFFFD0];
	[tilespmem:s28+$0x50] =	vst v9  }
0x1bf: {  	[tilespmem:s28+$0xC0] =	vst v8;
	v9 =	vld [tilespmem:s0+$0x60]  }
0x1c0: {  	v8 =	vmul.f32 v63, v5;
	v21 =	vadd.f32 v31, v6;
	[tilespmem:s28+$0xFFFFFF50] =	vst v10;
	v10 =	vld [tilespmem:s0+$0xD0]  }
0x1c1: {  	v25 =	vmul.f32 v29, v4;
	v33 =	vld [tilespmem:s0+$0xFFFFFF60]  }
0x1c2: {  	v20 =	vld.idx.msk [tilespmem:v20+s4+$0x0], $0xffff;
	v34 =	vadd.f32 v8, v2;
	[tilespmem:s30+$0x10] =	vst v21;
	v35 =	vmul.f32 v30, v1  }
0x1c3: {  	v36 =	vadd.f32 v25, v3;
	v37 =	vld [tilespmem:s29+$0x20];
	v24 =	vmul.f32 v32, v17  }
0x1c4: {  	v8 =	vld.idx.msk [tilespmem:v22+s16+$0x0], $0xffff;
	[tilespmem:s30+$0xFFFFFF10] =	vst v34;
	v21 =	vadd.f32 v35, v0;
	v9 =	vmul.f32 v9, v18  }
0x1c5: {  	[tilespmem:s30+$0xFFFFFF90] =	vst v36;
	v27 =	vld [tilespmem:s29+$0xFFFFFF20];
	v38 =	vadd.f32 v24, v16;
	v10 =	vmul.f32 v10, v14  }
0x1c6: {  	v39 =	vld [tilespmem:s29+$0xFFFFFFA0];
	[tilespmem:s30+$0x90] =	vst v21;
	v40 =	vmul.f32 v33, v11;
	v9 =	vadd.f32 v9, v13  }
0x1c7: {  	v41 =	vld [tilespmem:s29+$0xA0];
	[tilespmem:s28+$0xFFFFFFD0] =	vst v38;
	v10 =	vadd.f32 v10, v15  }
0x1c8: {  	v42 =	vmul.f32 v37, v7;
	v21 =	vadd.f32 v40, v12;
	v43 =	vld [tilespmem:s0+$0xFFFFFFE0];
	[tilespmem:s28+$0x60] =	vst v9  }
0x1c9: {  	s3 =	simm.s32 $0x10A;
	[tilespmem:s28+$0xD0] =	vst v10;
	v44 =	vld [tilespmem:s0+$0x70]  }
0x1ca: {  	v9 =	vmov s3;
	v10 =	vmul.f32 v27, v5;
	v23 =	vadd.f32 v42, v6;
	[tilespmem:s28+$0xFFFFFF60] =	vst v21;
	v45 =	vld [tilespmem:s0+$0xE0]  }
0x1cb: {  	v24 =	vmul.f32 v39, v4;
	v9 =	vand.u32 $0xFFFFFFFE, v9;
	v46 =	vld [tilespmem:s0+$0xFFFFFF70]  }
0x1cc: {  	v47 =	vbroadcast v9, $0x0;
	v9 =	vld.idx.msk [tilespmem:v22+s17+$0x0], $0xffff;
	v48 =	vadd.f32 v10, v2;
	[tilespmem:s30+$0x20] =	vst v23;
	v49 =	vmul.f32 v41, v1  }
0x1cd: {  	v24 =	vadd.f32 v24, v3;
	v50 =	vld [tilespmem:s29+$0x30]  }
0x1ce: {  	v10 =	vld.idx.msk [tilespmem:v19+s16+$0x0], $0xffff;
	v25 =	vmul.f32 v43, v17;
	[tilespmem:s30+$0xFFFFFF20] =	vst v48;
	v51 =	vadd.f32 v49, v0  }
0x1cf: {  	[tilespmem:s30+$0xFFFFFFA0] =	vst v24;
	v52 =	vld [tilespmem:s29+$0xFFFFFF30];
	v21 =	vmul.f32 v45, v14  }
0x1d0: {  	v54 =	vld [tilespmem:s29+$0xFFFFFFB0];
	v53 =	vadd.f32 v25, v16;
	[tilespmem:s30+$0xA0] =	vst v51  }
0x1d1: {  	v22 =	vld [tilespmem:s29+$0xB0];
	v21 =	vadd.f32 v21, v15  }
0x1d2: {  	[tilespmem:s28+$0xFFFFFFE0] =	vst v53;
	v55 =	vld.idx.msk [tilespmem:v47+s4+$0x0], $0xffff;
	v26 =	vmul.f32 v50, v7  }
0x1d3: {  	v18 =	vmul.f32 v44, v18;
	v56 =	vld [tilespmem:s0+$0xFFFFFFF0];
	[tilespmem:s28+$0xE0] =	vst v21  }
0x1d4: {  	v57 =	vmul.f32 v52, v5;
	v58 =	vadd.f32 v26, v6;
	v59 =	vld [tilespmem:s0+$0xF0]  }
0x1d5: {  	v27 =	vmul.f32 v46, v11;
	v11 =	vld.idx.msk [tilespmem:v20+s16+$0x0], $0xffff;
	v18 =	vadd.f32 v18, v13  }
0x1d6: {  	v13 =	vld.idx.msk [tilespmem:v19+s17+$0x0], $0xffff;
	v25 =	vmul.f32 v54, v4;
	v19 =	vadd.f32 v57, v2;
	[tilespmem:s30+$0x30] =	vst v58  }
0x1d7: {  	v60 =	vadd.f32 v27, v12;
	[tilespmem:s28+$0x70] =	vst v18;
	v18 =	vmul.f32 v22, v1;
	v61 =	vld [tilespmem:s29+$0x40]  }
0x1d8: {  	v12 =	vld.idx.msk [tilespmem:v20+s17+$0x0], $0xffff;
	v62 =	vadd.f32 v25, v3;
	[tilespmem:s30+$0xFFFFFF30] =	vst v19;
	v19 =	vmul.f32 v56, v17  }
0x1d9: {  	[tilespmem:s28+$0xFFFFFF70] =	vst v60;
	v18 =	vadd.f32 v18, v0;
	v17 =	vld [tilespmem:s29+$0xFFFFFF40];
	v20 =	vmul.f32 v59, v14  }
0x1da: {  	s31 =	simm.s32 $0x800;
	[tilespmem:s30+$0xFFFFFFB0] =	vst v62;
	v14 =	vld.idx.msk [tilespmem:v55+s17+$0x0], $0xffff;
	v63 =	vadd.f32 v19, v16  }
0x1db: {  	[tilespmem:s30+$0xB0] =	vst v18;
	v19 =	vld [tilespmem:s31+$0x0];
	v16 =	vadd.f32 v20, v15  }
0x1dc: {  	s0 =	simm.s32 $0x8;
	v15 =	vld.idx.msk [tilespmem:v55+s16+$0x0], $0xffff;
	v18 =	vmul.f32 v61, v7;
	[tilespmem:s28+$0xFFFFFFF0] =	vst v63  }
.LBB2_6:
0x1dd: {  	s3 =	sadd.s32 $0x104, s0;
	v20 =	vld [tilespmem:s31+$0xFFFFFF00];
	[tilespmem:s28+$0xF0] =	vst v16;
	s28 =	smov.u32 s30  }
0x1de: {  	v16 =	vmov s3;
	s3 =	sadd.s32 $0x107, s0;
	v21 =	vld [tilespmem:s31+$0xFFFFFF80];
	v17 =	vmul.f32 v17, v5;
	v18 =	vadd.f32 v18, v6  }
0x1df: {  	v16 =	vand.u32 $0xFFFFFFFC, v16;
	v22 =	vmov s3;
	v23 =	vld [tilespmem:s31+$0x80]  }
0x1e0: {  	v16 =	vbroadcast v16, $0x0;
	v19 =	vmul.f32 v19, v14;
	v17 =	vadd.f32 v17, v2;
	v24 =	vld [tilespmem:s29+$0xFFFFFFC0];
	[tilespmem:s30+$0x40] =	vst v18  }
0x1e1: {  	v18 =	vld [tilespmem:s29+$0x50]  }
0x1e2: {  	v20 =	vmul.f32 v20, v13;
	v19 =	vadd.f32 v19, v15;
	[tilespmem:s30+$0xFFFFFF40] =	vst v17;
	v17 =	vld [tilespmem:s29+$0xC0]  }
0x1e3: {  	s30 =	sadd.s32 $0x200, s30;
	v21 =	vmul.f32 v21, v12;
	v25 =	vld [tilespmem:s29+$0xFFFFFF50]  }
0x1e4: {  	v22 =	vld.idx.msk [tilespmem:v22+s4+$0x0], $0xffff;
	v20 =	vadd.f32 v20, v10;
	[tilespmem:s30+$0x0] =	vst v19;
	v19 =	vmul.f32 v23, v9  }
0x1e5: {  	s3 =	sadd.s32 $0x105, s0;
	v21 =	vadd.f32 v21, v11;
	v23 =	vld [tilespmem:s31+$0x10];
	v24 =	vmul.f32 v24, v4  }
0x1e6: {  	v26 =	vmov s3;
	v16 =	vld.idx.msk [tilespmem:v16+s4+$0x0], $0xffff;
	[tilespmem:s30+$0xFFFFFF00] =	vst v20;
	v19 =	vadd.f32 v19, v8;
	v18 =	vmul.f32 v18, v7  }
0x1e7: {  	v20 =	vand.u32 $0xFFFFFFFD, v26;
	v26 =	vld [tilespmem:s31+$0xFFFFFF10];
	[tilespmem:s30+$0xFFFFFF80] =	vst v21;
	v21 =	vadd.f32 v24, v3;
	v17 =	vmul.f32 v17, v1  }
0x1e8: {  	v20 =	vbroadcast v20, $0x0;
	v24 =	vld [tilespmem:s31+$0xFFFFFF90];
	[tilespmem:s30+$0x80] =	vst v19;
	v19 =	vmul.f32 v25, v5;
	v18 =	vadd.f32 v18, v6  }
0x1e9: {  	v25 =	vld [tilespmem:s31+$0x90];
	[tilespmem:s28+$0xFFFFFFC0] =	vst v21;
	v17 =	vadd.f32 v17, v0  }
0x1ea: {  	v21 =	vmul.f32 v23, v14;
	v19 =	vadd.f32 v19, v2;
	v23 =	vld [tilespmem:s29+$0xFFFFFFD0];
	[tilespmem:s28+$0x50] =	vst v18  }
0x1eb: {  	v18 =	vld [tilespmem:s29+$0x60];
	[tilespmem:s28+$0xC0] =	vst v17  }
0x1ec: {  	v17 =	vmul.f32 v26, v13;
	v21 =	vadd.f32 v21, v15;
	[tilespmem:s28+$0xFFFFFF50] =	vst v19;
	v19 =	vld [tilespmem:s29+$0xD0]  }
0x1ed: {  	v24 =	vmul.f32 v24, v12;
	v26 =	vld [tilespmem:s29+$0xFFFFFF60]  }
0x1ee: {  	v20 =	vld.idx.msk [tilespmem:v20+s4+$0x0], $0xffff;
	v17 =	vadd.f32 v17, v10;
	[tilespmem:s30+$0x10] =	vst v21;
	v21 =	vmul.f32 v25, v9  }
0x1ef: {  	v24 =	vadd.f32 v24, v11;
	v25 =	vld [tilespmem:s31+$0x20];
	v23 =	vmul.f32 v23, v4  }
0x1f0: {  	v27 =	vld.idx.msk [tilespmem:v22+s16+$0x0], $0xffff;
	[tilespmem:s30+$0xFFFFFF10] =	vst v17;
	v17 =	vadd.f32 v21, v8;
	v18 =	vmul.f32 v18, v7  }
0x1f1: {  	v21 =	vld [tilespmem:s31+$0xFFFFFF20];
	[tilespmem:s30+$0xFFFFFF90] =	vst v24;
	v23 =	vadd.f32 v23, v3;
	v19 =	vmul.f32 v19, v1  }
0x1f2: {  	v24 =	vld [tilespmem:s31+$0xFFFFFFA0];
	[tilespmem:s30+$0x90] =	vst v17;
	v17 =	vmul.f32 v26, v5;
	v18 =	vadd.f32 v18, v6  }
0x1f3: {  	v26 =	vld [tilespmem:s31+$0xA0];
	[tilespmem:s28+$0xFFFFFFD0] =	vst v23;
	v19 =	vadd.f32 v19, v0  }
0x1f4: {  	v23 =	vmul.f32 v25, v14;
	v17 =	vadd.f32 v17, v2;
	v25 =	vld [tilespmem:s29+$0xFFFFFFE0];
	[tilespmem:s28+$0x60] =	vst v18  }
0x1f5: {  	s3 =	sadd.s32 $0x106, s0;
	s0 =	sadd.s32 $0x4, s0;
	v18 =	vld [tilespmem:s29+$0x70];
	[tilespmem:s28+$0xD0] =	vst v19  }
0x1f6: {  	p0 =	slt.u32 s0, $0x7C;
	v19 =	vmov s3;
	v21 =	vmul.f32 v21, v13;
	v23 =	vadd.f32 v23, v15;
	[tilespmem:s28+$0xFFFFFF60] =	vst v17;
	v17 =	vld [tilespmem:s29+$0xE0]  }
0x1f7: {  	v19 =	vand.u32 $0xFFFFFFFE, v19;
	v24 =	vmul.f32 v24, v12;
	v28 =	vld [tilespmem:s29+$0xFFFFFF70]  }
0x1f8: {  	v19 =	vbroadcast v19, $0x0;
	v22 =	vld.idx.msk [tilespmem:v22+s17+$0x0], $0xffff;
	v21 =	vadd.f32 v21, v10;
	[tilespmem:s30+$0x20] =	vst v23;
	v23 =	vmul.f32 v26, v9  }
0x1f9: {  	v24 =	vadd.f32 v24, v11;
	v26 =	vld [tilespmem:s31+$0x30];
	v25 =	vmul.f32 v25, v4  }
0x1fa: {  	v29 =	vld.idx.msk [tilespmem:v16+s16+$0x0], $0xffff;
	[tilespmem:s30+$0xFFFFFF20] =	vst v21;
	v21 =	vadd.f32 v23, v8;
	v18 =	vmul.f32 v18, v7;
	v7 =	vmov v14  }
0x1fb: {  	v14 =	vld [tilespmem:s31+$0xFFFFFF30];
	[tilespmem:s30+$0xFFFFFFA0] =	vst v24;
	v23 =	vadd.f32 v25, v3;
	v17 =	vmul.f32 v17, v1  }
0x1fc: {  	v24 =	vld [tilespmem:s31+$0xFFFFFFB0];
	[tilespmem:s30+$0xA0] =	vst v21;
	v21 =	vmul.f32 v28, v5;
	v18 =	vadd.f32 v18, v6;
	v5 =	vmovc v13;
	v6 =	vmov v15  }
0x1fd: {  	v15 =	vld [tilespmem:s31+$0xB0];
	[tilespmem:s28+$0xFFFFFFE0] =	vst v23;
	v13 =	vadd.f32 v17, v0  }
0x1fe: {  	v23 =	vld.idx.msk [tilespmem:v19+s4+$0x0], $0xffff;
	v17 =	vmul.f32 v26, v7;
	v19 =	vadd.f32 v21, v2;
	[tilespmem:s28+$0x70] =	vst v18;
	v2 =	vmov v10  }
0x1ff: {  	v18 =	vld [tilespmem:s29+$0xFFFFFFF0];
	[tilespmem:s28+$0xE0] =	vst v13  }
0x200: {  	v10 =	vmov v29;
	v14 =	vmul.f32 v14, v5;
	v17 =	vadd.f32 v17, v6;
	[tilespmem:s28+$0xFFFFFF70] =	vst v19;
	v19 =	vld [tilespmem:s29+$0xF0];
	s29 =	smov.u32 s31  }
0x201: {  	v21 =	vld.idx.msk [tilespmem:v20+s16+$0x0], $0xffff;
	v24 =	vmul.f32 v24, v12  }
0x202: {  	v13 =	vld.idx.msk [tilespmem:v16+s17+$0x0], $0xffff;
	v14 =	vadd.f32 v14, v2;
	[tilespmem:s30+$0x30] =	vst v17;
	v15 =	vmul.f32 v15, v9  }
0x203: {  	v16 =	vadd.f32 v24, v11;
	v24 =	vld [tilespmem:s31+$0x40]  }
.Ltmp2:
0x204: {  	[tilespmem:s30+$0xFFFFFF30] =	vst v14;
	v15 =	vadd.f32 v15, v8;
	v18 =	vmul.f32 v18, v4;
	v4 =	vmov v12;
	v12 =	vld.idx.msk [tilespmem:v20+s17+$0x0], $0xffff;
	(pc) =	sbr.rel @p0 .LBB2_6-.Ltmp2, $4  }
0x205: {  	v17 =	vld [tilespmem:s31+$0xFFFFFF40];
	[tilespmem:s30+$0xFFFFFFB0] =	vst v16;
	v16 =	vmul.f32 v19, v1;
	v1 =	vmov v9;
	v9 =	vmov v22  }
0x206: {  	s31 =	sadd.s32 $0x200, s31;
	v14 =	vld.idx.msk [tilespmem:v23+s17+$0x0], $0xffff;
	[tilespmem:s30+$0xB0] =	vst v15;
	v20 =	vadd.f32 v18, v3;
	v3 =	vmov v11  }
0x207: {  	v11 =	vmovc v21;
	v19 =	vld [tilespmem:s31+$0x0];
	v16 =	vadd.f32 v16, v0;
	v0 =	vmov v8;
	v8 =	vmov v27  }
0x208: {  	v15 =	vld.idx.msk [tilespmem:v23+s16+$0x0], $0xffff;
	v18 =	vmul.f32 v24, v7;
	[tilespmem:s28+$0xFFFFFFF0] =	vst v20  }
0x209: {  	v20 =	vld [tilespmem:s31+$0xFFFFFF00]  }
0x20a: {  	v21 =	vld [tilespmem:s31+$0xFFFFFF80]  }
0x20b: {  	v22 =	vld [tilespmem:s31+$0x80];
	_ =	sdelay $0x1  }
0x20c: {  	v19 =	vmul.f32 v19, v14  }
0x20d: {  	v20 =	vmul.f32 v20, v13  }
0x20e: {  	v19 =	vadd.f32 v19, v15;
	v21 =	vmul.f32 v21, v12  }
0x20f: {  	s0 =	sadd.s32 $0x200, s30;
	v22 =	vmul.f32 v22, v9;
	v20 =	vadd.f32 v20, v10  }
0x210: {  	[tilespmem:s0+$0x0] =	vst v19;
	v19 =	vadd.f32 v21, v11  }
0x211: {  	v21 =	vld [tilespmem:s31+$0x10];
	[tilespmem:s0+$0xFFFFFF00] =	vst v20;
	v20 =	vadd.f32 v22, v8  }
0x212: {  	[tilespmem:s0+$0xFFFFFF80] =	vst v19;
	v22 =	vld [tilespmem:s31+$0xFFFFFF10]  }
0x213: {  	v19 =	vld [tilespmem:s31+$0xFFFFFF90];
	[tilespmem:s0+$0x80] =	vst v20  }
0x214: {  	v20 =	vld [tilespmem:s31+$0x90];
	_ =	sdelay $0x1  }
0x215: {  	v21 =	vmul.f32 v21, v14  }
0x216: {  	v22 =	vmul.f32 v22, v13  }
0x217: {  	v21 =	vadd.f32 v21, v15;
	v19 =	vmul.f32 v19, v12  }
0x218: {  	v22 =	vadd.f32 v22, v10;
	v20 =	vmul.f32 v20, v9  }
0x219: {  	[tilespmem:s0+$0x10] =	vst v21;
	v19 =	vadd.f32 v19, v11  }
0x21a: {  	v21 =	vld [tilespmem:s31+$0x20];
	[tilespmem:s0+$0xFFFFFF10] =	vst v22;
	v20 =	vadd.f32 v20, v8  }
0x21b: {  	[tilespmem:s0+$0xFFFFFF90] =	vst v19;
	v22 =	vld [tilespmem:s31+$0xFFFFFF20]  }
0x21c: {  	v19 =	vld [tilespmem:s31+$0xFFFFFFA0];
	[tilespmem:s0+$0x90] =	vst v20  }
0x21d: {  	v20 =	vld [tilespmem:s31+$0xA0];
	_ =	sdelay $0x1  }
0x21e: {  	v21 =	vmul.f32 v21, v14  }
0x21f: {  	v22 =	vmul.f32 v22, v13  }
0x220: {  	v21 =	vadd.f32 v21, v15;
	v19 =	vmul.f32 v19, v12  }
0x221: {  	v22 =	vadd.f32 v22, v10;
	v20 =	vmul.f32 v20, v9  }
0x222: {  	[tilespmem:s0+$0x20] =	vst v21;
	v19 =	vadd.f32 v19, v11  }
0x223: {  	v21 =	vld [tilespmem:s31+$0x30];
	[tilespmem:s0+$0xFFFFFF20] =	vst v22;
	v20 =	vadd.f32 v20, v8  }
0x224: {  	[tilespmem:s0+$0xFFFFFFA0] =	vst v19;
	v22 =	vld [tilespmem:s31+$0xFFFFFF30]  }
0x225: {  	v19 =	vld [tilespmem:s31+$0xFFFFFFB0];
	[tilespmem:s0+$0xA0] =	vst v20  }
0x226: {  	v20 =	vld [tilespmem:s31+$0xB0];
	_ =	sdelay $0x1  }
0x227: {  	v21 =	vmul.f32 v21, v14  }
0x228: {  	v22 =	vmul.f32 v22, v13  }
0x229: {  	v21 =	vadd.f32 v21, v15;
	v19 =	vmul.f32 v19, v12  }
0x22a: {  	v23 =	vld [tilespmem:s29+$0xFFFFFFC0];
	v22 =	vadd.f32 v22, v10;
	v20 =	vmul.f32 v20, v9  }
0x22b: {  	v24 =	vld [tilespmem:s29+$0xC0];
	[tilespmem:s0+$0x30] =	vst v21;
	v19 =	vadd.f32 v19, v11  }
0x22c: {  	v21 =	vld [tilespmem:s31+$0x40];
	[tilespmem:s0+$0xFFFFFF30] =	vst v22;
	v20 =	vadd.f32 v20, v8  }
0x22d: {  	[tilespmem:s0+$0xFFFFFFB0] =	vst v19;
	v22 =	vld [tilespmem:s31+$0xFFFFFF40]  }
0x22e: {  	v17 =	vmul.f32 v17, v5;
	v19 =	vld [tilespmem:s31+$0xFFFFFFC0];
	[tilespmem:s0+$0xB0] =	vst v20  }
0x22f: {  	v18 =	vadd.f32 v18, v6;
	v20 =	vmul.f32 v23, v4;
	v23 =	vld [tilespmem:s31+$0xC0]  }
0x230: {  	v17 =	vadd.f32 v17, v2;
	v24 =	vmul.f32 v24, v1  }
0x231: {  	[tilespmem:s30+$0x40] =	vst v18;
	v18 =	vadd.f32 v20, v3;
	v20 =	vmul.f32 v21, v14  }
0x232: {  	[tilespmem:s30+$0xFFFFFF40] =	vst v17;
	v17 =	vadd.f32 v24, v0;
	v21 =	vld [tilespmem:s29+$0x50];
	v22 =	vmul.f32 v22, v13  }
0x233: {  	v24 =	vld [tilespmem:s29+$0xFFFFFF50];
	[tilespmem:s30+$0xFFFFFFC0] =	vst v18;
	v18 =	vadd.f32 v20, v15;
	v19 =	vmul.f32 v19, v12  }
0x234: {  	[tilespmem:s30+$0xC0] =	vst v17;
	v20 =	vld [tilespmem:s29+$0xFFFFFFD0];
	v17 =	vadd.f32 v22, v10;
	v22 =	vmul.f32 v23, v9  }
0x235: {  	v23 =	vld [tilespmem:s29+$0xD0];
	[tilespmem:s0+$0x40] =	vst v18;
	v18 =	vadd.f32 v19, v11  }
0x236: {  	v19 =	vld [tilespmem:s31+$0x50];
	[tilespmem:s0+$0xFFFFFF40] =	vst v17;
	v17 =	vadd.f32 v22, v8  }
0x237: {  	v21 =	vmul.f32 v21, v7;
	[tilespmem:s0+$0xFFFFFFC0] =	vst v18;
	v22 =	vld [tilespmem:s31+$0xFFFFFF50]  }
0x238: {  	v18 =	vmul.f32 v24, v5;
	v24 =	vld [tilespmem:s31+$0xFFFFFFD0];
	[tilespmem:s0+$0xC0] =	vst v17  }
0x239: {  	v17 =	vadd.f32 v21, v6;
	v20 =	vmul.f32 v20, v4;
	v21 =	vld [tilespmem:s31+$0xD0]  }
0x23a: {  	v18 =	vadd.f32 v18, v2;
	v23 =	vmul.f32 v23, v1  }
0x23b: {  	[tilespmem:s30+$0x50] =	vst v17;
	v17 =	vadd.f32 v20, v3;
	v19 =	vmul.f32 v19, v14  }
0x23c: {  	[tilespmem:s30+$0xFFFFFF50] =	vst v18;
	v20 =	vld [tilespmem:s29+$0x60];
	v18 =	vadd.f32 v23, v0;
	v22 =	vmul.f32 v22, v13  }
0x23d: {  	v23 =	vld [tilespmem:s29+$0xFFFFFF60];
	[tilespmem:s30+$0xFFFFFFD0] =	vst v17;
	v17 =	vadd.f32 v19, v15;
	v19 =	vmul.f32 v24, v12  }
0x23e: {  	v24 =	vld [tilespmem:s29+$0xFFFFFFE0];
	[tilespmem:s30+$0xD0] =	vst v18;
	v18 =	vadd.f32 v22, v10;
	v21 =	vmul.f32 v21, v9  }
0x23f: {  	v22 =	vld [tilespmem:s29+$0xE0];
	[tilespmem:s0+$0x50] =	vst v17;
	v17 =	vadd.f32 v19, v11  }
0x240: {  	v19 =	vld [tilespmem:s31+$0x60];
	[tilespmem:s0+$0xFFFFFF50] =	vst v18;
	v18 =	vadd.f32 v21, v8  }
0x241: {  	v20 =	vmul.f32 v20, v7;
	[tilespmem:s0+$0xFFFFFFD0] =	vst v17;
	v21 =	vld [tilespmem:s31+$0xFFFFFF60]  }
0x242: {  	v17 =	vmul.f32 v23, v5;
	v23 =	vld [tilespmem:s31+$0xFFFFFFE0];
	[tilespmem:s0+$0xD0] =	vst v18  }
0x243: {  	v18 =	vadd.f32 v20, v6;
	v20 =	vmul.f32 v24, v4;
	v24 =	vld [tilespmem:s31+$0xE0]  }
0x244: {  	v17 =	vadd.f32 v17, v2;
	v22 =	vmul.f32 v22, v1  }
0x245: {  	[tilespmem:s30+$0x60] =	vst v18;
	v18 =	vadd.f32 v20, v3;
	v19 =	vmul.f32 v19, v14  }
0x246: {  	[tilespmem:s30+$0xFFFFFF60] =	vst v17;
	v20 =	vld [tilespmem:s29+$0x70];
	v17 =	vadd.f32 v22, v0;
	v21 =	vmul.f32 v21, v13  }
0x247: {  	v22 =	vld [tilespmem:s29+$0xFFFFFF70];
	[tilespmem:s30+$0xFFFFFFE0] =	vst v18;
	v18 =	vadd.f32 v19, v15;
	v19 =	vmul.f32 v23, v12  }
0x248: {  	v23 =	vld [tilespmem:s29+$0xFFFFFFF0];
	[tilespmem:s30+$0xE0] =	vst v17;
	v17 =	vadd.f32 v21, v10;
	v21 =	vmul.f32 v24, v9  }
0x249: {  	v24 =	vld [tilespmem:s29+$0xF0];
	[tilespmem:s0+$0x60] =	vst v18;
	v18 =	vadd.f32 v19, v11  }
0x24a: {  	v19 =	vld [tilespmem:s31+$0x70];
	[tilespmem:s0+$0xFFFFFF60] =	vst v17;
	v17 =	vadd.f32 v21, v8  }
0x24b: {  	v7 =	vmul.f32 v20, v7;
	[tilespmem:s0+$0xFFFFFFE0] =	vst v18;
	v20 =	vld [tilespmem:s31+$0xFFFFFF70]  }
0x24c: {  	v5 =	vmul.f32 v22, v5;
	v18 =	vld [tilespmem:s31+$0xFFFFFFF0];
	[tilespmem:s0+$0xE0] =	vst v17  }
0x24d: {  	v6 =	vadd.f32 v7, v6;
	v4 =	vmul.f32 v23, v4;
	v7 =	vld [tilespmem:s31+$0xF0]  }
0x24e: {  	[tilespmem:s28+$0xF0] =	vst v16;
	v2 =	vadd.f32 v5, v2;
	v1 =	vmul.f32 v24, v1  }
0x24f: {  	[tilespmem:s30+$0x70] =	vst v6;
	v3 =	vadd.f32 v4, v3;
	v4 =	vmul.f32 v19, v14  }
0x250: {  	[tilespmem:s30+$0xFFFFFF70] =	vst v2;
	v0 =	vadd.f32 v1, v0;
	v1 =	vmul.f32 v20, v13  }
0x251: {  	[tilespmem:s30+$0xFFFFFFF0] =	vst v3;
	v2 =	vadd.f32 v4, v15;
	v3 =	vmul.f32 v18, v12  }
0x252: {  	[tilespmem:s30+$0xF0] =	vst v0;
	v0 =	vadd.f32 v1, v10;
	v1 =	vmul.f32 v7, v9  }
0x253: {  	[tilespmem:s0+$0x70] =	vst v2;
	v2 =	vadd.f32 v3, v11  }
0x254: {  	[tilespmem:s0+$0xFFFFFF70] =	vst v0;
	v0 =	vadd.f32 v1, v8  }
0x255: {  	[tilespmem:s0+$0xFFFFFFF0] =	vst v2  }
0x256: {  	s3 =	simm.s32 $0x0;
	[tilespmem:s0+$0xF0] =	vst v0  }
0x257: {  	[hbm4b:s12+s3] =	stream.linear.scatter [tilespmem:s21], [sflag:$0x3], $0x4000, $0x38;
	[tilespmem:$0x10300] =	vst v63  }
0x258: {  	_ =	swait.ge [sflag:s22], $0x4000  }
0x259: {  	[sflag:s22] =	ssyncset.done $0x0  }
0x25a: {  	[sflag:s22] =	ssyncadd.s32 $0xFFFFC000  }
0x25b: {  	_ =	swait.ge [sflag:s25], $0x4000  }
0x25c: {  	[sflag:s25] =	ssyncset.done $0x0  }
0x25d: {  	s28 =	simm.s32 $0x0;
	[sflag:s25] =	ssyncadd.s32 $0xFFFFC000  }
0x25e: {  	s29 =	simm.s32 $0x180;
	v12 =	vld [tilespmem:s28+$0x4300]  }
0x25f: {  	v1 =	vmov s29;
	s3 =	simm.s32 $0x181;
	v0 =	vld [tilespmem:s28+$0x44D0]  }
0x260: {  	v1 =	vand.u32 $0xFFFFFFFC, v1;
	v2 =	vmov s3;
	v14 =	vld [tilespmem:s28+$0x4370]  }
0x261: {  	v4 =	vbroadcast v1, $0x0;
	v1 =	vand.u32 $0xFFFFFFFD, v2;
	v17 =	vld [tilespmem:s28+$0x4350]  }
0x262: {  	v2 =	vbroadcast v1, $0x0;
	v1 =	vld [tilespmem:s28+$0x44A0]  }
0x263: {  	s30 =	simm.s32 $0x182;
	v20 =	vld [tilespmem:s28+$0x43E0]  }
0x264: {  	v5 =	vmov s30;
	v19 =	vld [tilespmem:s28+$0x4340]  }
0x265: {  	s31 =	simm.s32 $0x183;
	v5 =	vand.u32 $0xFFFFFFFE, v5;
	v3 =	vld [tilespmem:s28+$0x4490]  }
0x266: {  	v6 =	vmov s31;
	v5 =	vbroadcast v5, $0x0;
	v21 =	vld [tilespmem:s28+$0x4360]  }
0x267: {  	v4 =	vld.idx.msk [tilespmem:v4+s4+$0x0], $0xffff  }
0x268: {  	v7 =	vld [tilespmem:s28+$0x44F0]  }
0x269: {  	v22 =	vld [tilespmem:s28+$0x4400]  }
0x26a: {  	v23 =	vld [tilespmem:s28+$0x4320]  }
0x26b: {  	v24 =	vld.idx.msk [tilespmem:v6+s4+$0x0], $0xffff  }
0x26c: {  	v6 =	vld.idx.msk [tilespmem:v5+s4+$0x0], $0xffff  }
0x26d: {  	v25 =	vld [tilespmem:s28+$0x4410]  }
0x26e: {  	v16 =	vld [tilespmem:s28+$0x44B0]  }
0x26f: {  	v5 =	vld [tilespmem:s28+$0x4470]  }
0x270: {  	v8 =	vld [tilespmem:s28+$0x4480]  }
0x271: {  	v18 =	vld [tilespmem:s28+$0x43C0]  }
0x272: {  	v15 =	vld [tilespmem:s28+$0x43A0]  }
0x273: {  	v26 =	vld [tilespmem:s28+$0x43F0]  }
0x274: {  	v28 =	vld [tilespmem:s28+$0x4310]  }
0x275: {  	v9 =	vld.idx.msk [tilespmem:v2+s4+$0x0], $0xffff  }
0x276: {  	v29 =	vld [tilespmem:s28+$0x4330]  }
0x277: {  	v35 =	vld [tilespmem:s28+$0x4390]  }
0x278: {  	v31 =	vld [tilespmem:s28+$0x4430]  }
0x279: {  	v27 =	vld.idx.msk [tilespmem:v4+s17+$0x0], $0xffff  }
0x27a: {  	v34 =	vld [tilespmem:s28+$0x4380]  }
0x27b: {  	v37 =	vld [tilespmem:s28+$0x43B0]  }
0x27c: {  	v11 =	vld.idx.msk [tilespmem:v4+s16+$0x0], $0xffff  }
0x27d: {  	v13 =	vld.idx.msk [tilespmem:v9+s17+$0x0], $0xffff  }
0x27e: {  	v10 =	vld.idx.msk [tilespmem:v6+s17+$0x0], $0xffff;
	v23 =	vmul.f32 v23, v27  }
0x27f: {  	v2 =	vld [tilespmem:s28+$0x44E0];
	v30 =	vmul.f32 v19, v27;
	v21 =	vmul.f32 v21, v27  }
0x280: {  	v4 =	vld.idx.msk [tilespmem:v9+s16+$0x0], $0xffff;
	v12 =	vmul.f32 v12, v27;
	v19 =	vmul.f32 v17, v27  }
0x281: {  	v6 =	vld.idx.msk [tilespmem:v6+s16+$0x0], $0xffff;
	v17 =	vmul.f32 v28, v27;
	v38 =	vmul.f32 v14, v27  }
0x282: {  	v9 =	vld [tilespmem:s28+$0x44C0];
	v14 =	vmul.f32 v29, v27;
	v32 =	vmul.f32 v26, v13;
	v36 =	vadd.f32 v23, v11  }
0x283: {  	v26 =	vmul.f32 v22, v10;
	v22 =	vadd.f32 v21, v11;
	v21 =	vld [tilespmem:s28+$0x43D0];
	v23 =	vmul.f32 v20, v13  }
0x284: {  	v29 =	vld [tilespmem:s28+$0x4460];
	v33 =	vadd.f32 v17, v11;
	v30 =	vadd.f32 v30, v11;
	v20 =	vmul.f32 v31, v10  }
0x285: {  	v17 =	vld.idx.msk [tilespmem:v24+s17+$0x0], $0xffff;
	v28 =	vadd.f32 v12, v11;
	v12 =	vmul.f32 v34, v13;
	v39 =	vadd.f32 v32, v4  }
0x286: {  	v31 =	vmul.f32 v25, v10;
	v34 =	vadd.f32 v38, v11;
	v27 =	vmul.f32 v35, v13;
	v25 =	vld [tilespmem:s28+$0x4420];
	[tilespmem:s28+$0xC320] =	vst v36  }
0x287: {  	s0 =	simm.s32 $0x0;
	s3 =	simm.s32 $0x800;
	v32 =	vadd.f32 v14, v11;
	v14 =	vld.idx.msk [tilespmem:v24+s16+$0x0], $0xffff;
	v24 =	vmul.f32 v37, v13;
	[tilespmem:s28+$0xC3F0] =	vst v39  }
.LBB2_8:
0x288: {  	s29 =	sadd.s32 $0x184, s0;
	s30 =	sadd.s32 $0x185, s0;
	s31 =	sadd.s32 $0x186, s0;
	[tilespmem:s28+$0xC310] =	vst v33;
	v18 =	vmul.f32 v18, v13;
	v33 =	vmul.f32 v21, v13;
	v35 =	vld [tilespmem:s28+$0x4450]  }
0x289: {  	v21 =	vmov s29;
	s29 =	sshra.s32 s3, $0x2;
	v36 =	vmov s30;
	v37 =	vmov s31;
	s30 =	sadd.s32 $0x187, s0;
	s0 =	sadd.s32 $0x4, s0;
	[tilespmem:s28+$0xC330] =	vst v32;
	v32 =	vld [tilespmem:s28+$0x4440]  }
0x28a: {  	v16 =	vmul.f32 v16, v17;
	v38 =	vand.u32 $0xFFFFFFFC, v21;
	v21 =	vld [tilespmem:s29+$0x4300];
	v37 =	vand.u32 $0xFFFFFFFE, v37;
	p0 =	slt.u32 s0, $0x7C;
	[tilespmem:s28+$0xC360] =	vst v22  }
0x28b: {  	v7 =	vmul.f32 v7, v17;
	v36 =	vand.u32 $0xFFFFFFFD, v36;
	v38 =	vbroadcast v38, $0x0;
	v39 =	vld [tilespmem:s29+$0x44D0];
	[tilespmem:s28+$0xC370] =	vst v34  }
0x28c: {  	v33 =	vadd.f32 v33, v4;
	v34 =	vbroadcast v36, $0x0;
	v36 =	vadd.f32 v24, v4;
	v22 =	vld [tilespmem:s29+$0x4370]  }
0x28d: {  	v37 =	vbroadcast v37, $0x0;
	v24 =	vld [tilespmem:s29+$0x4350];
	[tilespmem:s28+$0xC340] =	vst v30;
	v30 =	vadd.f32 v31, v6;
	v31 =	vmul.f32 v35, v10  }
0x28e: {  	v7 =	vadd.f32 v7, v14;
	v35 =	vld [tilespmem:s29+$0x44A0];
	[tilespmem:s28+$0xC3D0] =	vst v33;
	v33 =	vmul.f32 v25, v10;
	v32 =	vmul.f32 v32, v10  }
0x28f: {  	v26 =	vadd.f32 v26, v6;
	v20 =	vadd.f32 v20, v6;
	v29 =	vmul.f32 v29, v10;
	v25 =	vld [tilespmem:s29+$0x43E0];
	[tilespmem:s28+$0xC410] =	vst v30  }
0x290: {  	v5 =	vmul.f32 v5, v10;
	v31 =	vadd.f32 v31, v6;
	v30 =	vld [tilespmem:s29+$0x4340];
	[tilespmem:s28+$0xC300] =	vst v28;
	v28 =	vadd.f32 v32, v6  }
0x291: {  	v13 =	vmul.f32 v15, v13;
	v27 =	vadd.f32 v27, v4;
	v15 =	vadd.f32 v29, v6;
	v10 =	vld [tilespmem:s29+$0x4490];
	[tilespmem:s28+$0xC400] =	vst v26  }
0x292: {  	v23 =	vadd.f32 v23, v4;
	v29 =	vadd.f32 v5, v6;
	v5 =	vmul.f32 v8, v17;
	v26 =	vld [tilespmem:s29+$0x4360];
	[tilespmem:s28+$0xC4F0] =	vst v7  }
0x293: {  	v11 =	vadd.f32 v19, v11;
	v13 =	vadd.f32 v13, v4;
	v8 =	vmov s30;
	v32 =	vld.idx.msk [tilespmem:v38+s4+$0x0], $0xffff;
	[tilespmem:s28+$0xC460] =	vst v15  }
0x294: {  	v3 =	vmul.f32 v3, v17;
	v6 =	vadd.f32 v33, v6;
	v19 =	vld.idx.msk [tilespmem:v34+s4+$0x0], $0xffff;
	[tilespmem:s28+$0xC3E0] =	vst v23  }
0x295: {  	v9 =	vmul.f32 v9, v17;
	v5 =	vadd.f32 v5, v14;
	v15 =	vmul.f32 v1, v17;
	v7 =	vld [tilespmem:s29+$0x44F0];
	[tilespmem:s28+$0xC350] =	vst v11  }
0x296: {  	v34 =	vmul.f32 v0, v17;
	v11 =	vadd.f32 v3, v14;
	[tilespmem:s28+$0xC3A0] =	vst v13;
	v13 =	vmul.f32 v2, v17;
	v2 =	vld [tilespmem:s29+$0x44E0]  }
0x297: {  	v9 =	vadd.f32 v9, v14;
	v1 =	vmovc v35;
	v0 =	vmov v39;
	v23 =	vadd.f32 v15, v14;
	v17 =	vld [tilespmem:s29+$0x4400];
	[tilespmem:s28+$0xC480] =	vst v5  }
0x298: {  	v3 =	vmov v10;
	v33 =	vld [tilespmem:s29+$0x4320];
	[tilespmem:s28+$0xC390] =	vst v27;
	v27 =	vadd.f32 v34, v14;
	v5 =	vadd.f32 v13, v14  }
0x299: {  	v10 =	vadd.f32 v16, v14;
	v34 =	vld.idx.msk [tilespmem:v8+s4+$0x0], $0xffff;
	v8 =	vadd.f32 v18, v4;
	[tilespmem:s28+$0xC450] =	vst v31  }
0x29a: {  	v14 =	vld.idx.msk [tilespmem:v37+s4+$0x0], $0xffff;
	[tilespmem:s28+$0xC4E0] =	vst v5  }
0x29b: {  	v12 =	vadd.f32 v12, v4;
	v31 =	vld [tilespmem:s29+$0x4410];
	[tilespmem:s28+$0xC4B0] =	vst v10  }
0x29c: {  	v16 =	vld [tilespmem:s29+$0x44B0];
	[tilespmem:s28+$0xC3C0] =	vst v8  }
0x29d: {  	v5 =	vld [tilespmem:s29+$0x4470];
	[tilespmem:s28+$0xC490] =	vst v11  }
0x29e: {  	v8 =	vld [tilespmem:s29+$0x4480];
	[tilespmem:s28+$0xC3B0] =	vst v36  }
0x29f: {  	v18 =	vld [tilespmem:s29+$0x43C0];
	[tilespmem:s28+$0xC4C0] =	vst v9  }
0x2a0: {  	v15 =	vld [tilespmem:s29+$0x43A0];
	[tilespmem:s28+$0xC470] =	vst v29  }
0x2a1: {  	v29 =	vld [tilespmem:s29+$0x43F0];
	[tilespmem:s28+$0xC440] =	vst v28  }
0x2a2: {  	v28 =	vld.idx.msk [tilespmem:v32+s17+$0x0], $0xffff;
	[tilespmem:s28+$0xC4A0] =	vst v23  }
0x2a3: {  	v11 =	vld.idx.msk [tilespmem:v32+s16+$0x0], $0xffff;
	[tilespmem:s28+$0xC430] =	vst v20  }
0x2a4: {  	v13 =	vld.idx.msk [tilespmem:v19+s17+$0x0], $0xffff;
	[tilespmem:s28+$0xC420] =	vst v6  }
0x2a5: {  	v4 =	vld.idx.msk [tilespmem:v19+s16+$0x0], $0xffff;
	[tilespmem:s28+$0xC4D0] =	vst v27  }
0x2a6: {  	v10 =	vld.idx.msk [tilespmem:v14+s17+$0x0], $0xffff;
	[tilespmem:s28+$0xC380] =	vst v12;
	s28 =	smov.u32 s29  }
0x2a7: {  	v6 =	vld.idx.msk [tilespmem:v14+s16+$0x0], $0xffff  }
0x2a8: {  	v12 =	vmul.f32 v33, v28;
	v9 =	vld [tilespmem:s28+$0x44C0]  }
0x2a9: {  	v20 =	vmul.f32 v30, v28;
	v27 =	vmul.f32 v26, v28;
	v14 =	vld [tilespmem:s28+$0x4310]  }
0x2aa: {  	v35 =	vmul.f32 v21, v28;
	v12 =	vadd.f32 v12, v11;
	v21 =	vld [tilespmem:s28+$0x4330]  }
0x2ab: {  	v29 =	vmul.f32 v29, v13;
	v36 =	vld [tilespmem:s28+$0x4390]  }
0x2ac: {  	v19 =	vmul.f32 v24, v28;
	v26 =	vmul.f32 v17, v10;
	v24 =	vld [tilespmem:s28+$0x4430]  }
0x2ad: {  	v37 =	vmul.f32 v22, v28;
	v38 =	vld [tilespmem:s28+$0x4380]  }
0x2ae: {  	v23 =	vmul.f32 v25, v13;
	v14 =	vmul.f32 v14, v28;
	v39 =	vld [tilespmem:s28+$0x43B0]  }
.Ltmp3:
0x2af: {  	v22 =	vadd.f32 v27, v11;
	v25 =	vmul.f32 v21, v28;
	v21 =	vld [tilespmem:s28+$0x43D0];
	(pc) =	sbr.rel @p0 .LBB2_8-.Ltmp3, $4  }
0x2b0: {  	v40 =	vadd.f32 v29, v4;
	v33 =	vadd.f32 v14, v11;
	v17 =	vld.idx.msk [tilespmem:v34+s17+$0x0], $0xffff  }
0x2b1: {  	v30 =	vadd.f32 v20, v11;
	v32 =	vadd.f32 v25, v11;
	v20 =	vmul.f32 v24, v10;
	v14 =	vld.idx.msk [tilespmem:v34+s16+$0x0], $0xffff  }
0x2b2: {  	v31 =	vmul.f32 v31, v10;
	v28 =	vadd.f32 v35, v11;
	[tilespmem:s28+$0xC320] =	vst v12;
	v12 =	vmul.f32 v38, v13;
	v29 =	vld [tilespmem:s28+$0x4460]  }
0x2b3: {  	s3 =	sadd.s32 $0x800, s3;
	v27 =	vmul.f32 v36, v13;
	v34 =	vadd.f32 v37, v11;
	v24 =	vmul.f32 v39, v13;
	[tilespmem:s28+$0xC3F0] =	vst v40;
	v25 =	vld [tilespmem:s28+$0x4420]  }
0x2b4: {  	[tilespmem:s28+$0xC310] =	vst v33  }
0x2b5: {  	[tilespmem:s28+$0xC330] =	vst v32  }
0x2b6: {  	[tilespmem:s28+$0xC360] =	vst v22  }
0x2b7: {  	[tilespmem:s28+$0xC340] =	vst v30  }
0x2b8: {  	v43 =	vadd.f32 v31, v6;
	[tilespmem:s28+$0xC300] =	vst v28  }
0x2b9: {  	v45 =	vadd.f32 v26, v6;
	[tilespmem:s28+$0xC370] =	vst v34  }
0x2ba: {  	v23 =	vadd.f32 v23, v4;
	[tilespmem:s28+$0xC410] =	vst v43  }
0x2bb: {  	v49 =	vadd.f32 v19, v11;
	[tilespmem:s28+$0xC400] =	vst v45  }
0x2bc: {  	v62 =	vadd.f32 v20, v6;
	[tilespmem:s28+$0xC3E0] =	vst v23  }
0x2bd: {  	v63 =	vadd.f32 v12, v4;
	[tilespmem:s28+$0xC350] =	vst v49  }
0x2be: {  	v21 =	vmul.f32 v21, v13;
	v52 =	vadd.f32 v27, v4;
	[tilespmem:s28+$0xC430] =	vst v62  }
0x2bf: {  	v15 =	vmul.f32 v15, v13;
	v57 =	vadd.f32 v24, v4;
	[tilespmem:s28+$0xC380] =	vst v63  }
0x2c0: {  	v5 =	vmul.f32 v5, v10;
	v21 =	vadd.f32 v21, v4;
	[tilespmem:s28+$0xC390] =	vst v52  }
0x2c1: {  	v7 =	vmul.f32 v7, v17;
	v50 =	vadd.f32 v15, v4;
	[tilespmem:s28+$0xC3B0] =	vst v57  }
0x2c2: {  	v2 =	vmul.f32 v2, v17;
	v59 =	vadd.f32 v5, v6;
	[tilespmem:s28+$0xC3D0] =	vst v21  }
0x2c3: {  	v53 =	vmul.f32 v16, v17;
	v7 =	vadd.f32 v7, v14;
	[tilespmem:s28+$0xC3A0] =	vst v50  }
0x2c4: {  	v3 =	vmul.f32 v3, v17;
	v2 =	vadd.f32 v2, v14;
	[tilespmem:s28+$0xC470] =	vst v59  }
0x2c5: {  	v42 =	vld [tilespmem:s28+$0x4450];
	v1 =	vmul.f32 v1, v17;
	v55 =	vadd.f32 v53, v14;
	[tilespmem:s28+$0xC4F0] =	vst v7  }
0x2c6: {  	v0 =	vmul.f32 v0, v17;
	v3 =	vadd.f32 v3, v14;
	[tilespmem:s28+$0xC4E0] =	vst v2  }
0x2c7: {  	v44 =	vld [tilespmem:s28+$0x4440];
	v46 =	vmul.f32 v29, v10;
	v1 =	vadd.f32 v1, v14;
	[tilespmem:s28+$0xC4B0] =	vst v55  }
0x2c8: {  	v48 =	vmul.f32 v8, v17;
	v0 =	vadd.f32 v0, v14;
	[tilespmem:s28+$0xC490] =	vst v3  }
0x2c9: {  	v56 =	vmul.f32 v9, v17;
	v47 =	vadd.f32 v46, v6;
	[tilespmem:s28+$0xC4A0] =	vst v1  }
0x2ca: {  	v51 =	vmul.f32 v42, v10;
	v7 =	vadd.f32 v48, v14;
	[tilespmem:s28+$0xC4D0] =	vst v0  }
0x2cb: {  	v54 =	vmul.f32 v18, v13;
	v2 =	vadd.f32 v56, v14;
	[tilespmem:s28+$0xC460] =	vst v47  }
0x2cc: {  	v58 =	vmul.f32 v44, v10;
	v15 =	vadd.f32 v51, v6;
	[tilespmem:s28+$0xC480] =	vst v7  }
0x2cd: {  	v61 =	vmul.f32 v25, v10;
	v7 =	vadd.f32 v54, v4;
	[tilespmem:s28+$0xC4C0] =	vst v2  }
0x2ce: {  	v60 =	vadd.f32 v58, v6;
	[tilespmem:s28+$0xC450] =	vst v15  }
0x2cf: {  	v2 =	vadd.f32 v61, v6;
	[tilespmem:s28+$0xC3C0] =	vst v7  }
0x2d0: {  	[tilespmem:s28+$0xC440] =	vst v60  }
0x2d1: {  	s26 =	sadd.s32 $0x1, s26;
	[tilespmem:s28+$0xC420] =	vst v2  }
0x2d2: {  	[hbm4b:s13+s4] =	stream.linear.scatter [tilespmem:s23], [sflag:$0x4], $0x4000, $0x38;
	[tilespmem:$0x10300] =	vst v63  }
0x2d3: {  	p0 =	sne.s32 s26, s14;
	_ =	swait.ge [sflag:s24], $0x4000  }
.Ltmp4:
0x2d4: {  	[sflag:s24] =	ssyncset.done $0x0;
	(pc) =	sbr.rel @p0 .LBB2_1-.Ltmp4, $4  }
0x2d5: {  	[sflag:s24] =	ssyncadd.s32 $0xFFFFC000  }
0x2d6: {  	_ =	swait.ge [sflag:s25], $0x4000  }
0x2d7: {  	[sflag:s25] =	ssyncset.done $0x0  }
0x2d8: {  	[sflag:s25] =	ssyncadd.s32 $0xFFFFC000  }
0x2d9: {  	_ =	sfence.sel $0x180000  }
0x2da: {  	[bflag:$0x0] =	sbarrier.arrive $0xFFFF  }
0x2db: {  	_ =	strace $0x90000047  }
0x2dc: {  	s0 =	stileid.u32;
	[bflag:$0x2] =	sbarrier.arrive $0xFFFF  }
0x2dd: {  	p0 =	sne.s32 s0, $0x0;
	s0 =	rddreg [dreg:$0x5]  }
0x2de: {  	s0 =	sadd.s32 @!p0 $0x100000, s0  }
0x2df: {  	[sflag:s0] =	ssyncadd.tile.s32 @!p0 $0x1;
	_ =	shalt  }
.Lfunc_end2:
_tile_overlayer_lowered:
.L_overlay_start_2:
0x2e0: {  	(tag) =	ssettag $0x2  }
0x2e1: {  	s0 =	rddreg [dreg:$0x0];
	s2 =	stileid.u32  }
0x2e2: {  	s1 =	rddreg [dreg:$0x1];
	p0 =	sne.s32 s2, $0x0  }
0x2e3: {  	s3 =	rddreg [dreg:$0x2];
	[bflag:$0x3] =	sbarrier.arrive $0xFFFF;
	s2 =	simm.s32 @!p0 $0x1C05  }
0x2e4: {  	[timem:s3], [sflag:s2] =	dma.local @!p0 [hbm:s0], s1  }
0x2e5: {  	s0 =	simm.s32 @!p0 $0x5  }
0x2e6: {  	_ =	swait.ge @!p0 [sflag:s0], s1  }
0x2e7: {  	s1 =	ssub.s32 @!p0 $0x0, s1;
	[sflag:s0] =	ssyncset.done @!p0 $0x0  }
0x2e8: {  	[sflag:s0] =	ssyncadd.s32 @!p0 s1  }
0x2e9: {  	[bflag:$0x3] =	sbarrier.arrive $0xFFFF  }
0x2ea: {  	_ =	shalt  }

</sc_bundles>
